<compile_context>
chip_gen: v7x
topology: tpu7x:2x2x1
jax: 0.10.2.dev20260603
libtpu: 0.0.44.dev20260713+nightly
codegen_flags: <defaults>
</compile_context>

<pallas_src>
import functools
import jax
import jax.numpy as jnp
from jax import lax
from jax.experimental import pallas as pl
from jax.experimental.pallas import tpu as pltpu
from jax.experimental.pallas import tpu_sc as plsc

_D = 128
_N = 100
_B = 1024
_BB = 32
_TEMP = 1.0

_NC = 2
_NS = 16
_NW = _NC * _NS
_RPW = _B // _NW
_DD = _D * _D
_C = 4


def _table_body(w_ref, deltas_ref, twb_ref):
    w = w_ref[...]
    twb_ref[0:_N] = w[None] + deltas_ref[...]
    twb_ref[_N] = w


def _build_table(W_adj, env_deltas):
    return pl.pallas_call(
        _table_body,
        out_shape=jax.ShapeDtypeStruct((_N + 1, _D, _D), jnp.float32),
    )(W_adj, env_deltas)


def _a_body(env_idx_ref, twb_ref, a_ref, ta_ref):
    i = pl.program_id(0)

    @pl.when(i == 0)
    def _tables():
        row = jax.lax.broadcasted_iota(jnp.int32, (_D, _D), 0)
        col = jax.lax.broadcasted_iota(jnp.int32, (_D, _D), 1)
        mask = jnp.where(row == col, 0.0, 1.0)
        ta_ref[...] = jax.nn.sigmoid(twb_ref[...] * (1.0 / _TEMP)) * mask[None]

    @pl.when(i > 0)
    def _emit():
        base = (i - 1) * _BB
        for j in range(_BB):
            e = env_idx_ref[base + j]
            a_ref[j] = ta_ref[jnp.clip(e, 0, _N)]


def _a_stream(env_idx, twb):
    return pl.pallas_call(
        _a_body,
        grid=(1 + _B // _BB,),
        in_specs=[
            pl.BlockSpec(memory_space=pltpu.SMEM),
            pl.BlockSpec((_N + 1, _D, _D), lambda i: (0, 0, 0)),
        ],
        out_specs=pl.BlockSpec((_BB, _D, _D), lambda i: (jnp.maximum(i - 1, 0), 0, 0)),
        out_shape=jax.ShapeDtypeStruct((_B, _D, _D), jnp.float32),
        scratch_shapes=[pltpu.VMEM((_N + 1, _D, _D), jnp.float32)],
    )(env_idx, twb)


def _sc_body(idx_hbm, twb_hbm, wb_hbm, idx_v, rows_v, sem):
    c = lax.axis_index("c")
    s = lax.axis_index("s")
    wid = s * _NC + c
    base = wid * _RPW

    pltpu.sync_copy(idx_hbm.at[wid], idx_v)
    for ch in range(_RPW // _C):
        pltpu.async_copy(twb_hbm.at[idx_v.at[ch]], rows_v, sem).wait()
        pltpu.sync_copy(rows_v, wb_hbm.at[pl.ds(base + ch * _C, _C)])


@functools.partial(
    pl.kernel,
    out_type=jax.ShapeDtypeStruct((_B, _D, _D), jnp.float32),
    mesh=plsc.VectorSubcoreMesh(
        core_axis_name="c", subcore_axis_name="s", num_cores=_NC, num_subcores=_NS
    ),
    scratch_types=[
        pltpu.VMEM((_RPW // _C, _C), jnp.int32),
        pltpu.VMEM((_C, _D, _D), jnp.float32),
        pltpu.SemaphoreType.DMA,
    ],
)
def _wb_stream(idx_hbm, twb_hbm, wb_hbm, idx_v, rows_v, sem):
    _sc_body(idx_hbm, twb_hbm, wb_hbm, idx_v, rows_v, sem)


@jax.jit
def _run(env_idx, W_adj, env_deltas):
    eidx = jnp.clip(env_idx, 0, _N).astype(jnp.int32)
    twb = _build_table(W_adj, env_deltas)
    A = _a_stream(eidx, twb)
    Wb = _wb_stream(eidx.reshape(_NW, _RPW // _C, _C), twb)
    return A, Wb


def kernel(env_idx, W_adj, env_deltas):
    return _run(env_idx, W_adj, env_deltas)

# --- scband reference (transcript-rebuilt; emitter-appended) ---
"""Pipeline reference for scband-causal-graph-learner-82240033784121 (READ-ONLY COPY).

The authoritative reference and input builder live on the scoring server;
editing this copy changes nothing except your own understanding.
"""

import jax, jax.numpy as jnp
import numpy as np

D = 128
N_REGIMES = 100
B = 1024
TEMP = 1.0
INIT_SCALE = 0.01


def setup_inputs(seed: int = 0) -> dict:
    key = jax.random.key(seed)
    k1, k2, k3 = jax.random.split(key, 3)
    env_idx = jax.random.randint(k1, (B,), 0, N_REGIMES, dtype=jnp.int32)
    W_adj = jax.random.normal(k2, (D, D), dtype=jnp.float32) * INIT_SCALE
    env_deltas = jax.random.normal(k3, (N_REGIMES, D, D), dtype=jnp.float32) * INIT_SCALE
    return {"env_idx": env_idx, "W_adj": W_adj, "env_deltas": env_deltas}


def reference(env_idx, W_adj, env_deltas):
    # A^(e) = sigmoid((W_adj + delta^(e)) / tau), diagonal zeroed.
    valid = env_idx < N_REGIMES
    idx = jnp.clip(env_idx, 0, N_REGIMES - 1)
    deltas = jnp.take(env_deltas, idx, axis=0)  # [B, D, D] gather (embedding lookup)
    deltas = jnp.where(valid[:, None, None], deltas, 0.0)
    W_batch = W_adj[None, :, :] + deltas
    logits = W_batch / TEMP
    A = jax.nn.sigmoid(logits)
    diag = jnp.eye(D, dtype=A.dtype)
    A = A * (1.0 - diag)[None, :, :]
    return (A, W_batch)

if __name__ == "__main__":
    import jax
    _d = setup_inputs()
    print(jax.jit(kernel)(*tuple(_d.values())))

</pallas_src>

<mosaic_0001>
#map = affine_map<(d0, d1) -> (0, 0, 0)>
module attributes {stable_mosaic.version = 14 : i64} {
  func.func @_wb_stream(%arg0: i32, %arg1: i32, %arg2: memref<32x8x4xi32, #tpu.memory_space<hbm>>, %arg3: memref<101x128x128xf32, #tpu.memory_space<hbm>>, %arg4: memref<1024x128x128xf32, #tpu.memory_space<hbm>>, %arg5: memref<8x4xi32, #tpu.memory_space<vmem>>, %arg6: memref<4x128x128xf32, #tpu.memory_space<vmem>>, %arg7: memref<!tpu.dma_semaphore, #tpu.memory_space<semaphore_mem>>) attributes {dimension_semantics = [#tpu.dimension_semantics<core_parallel>, #tpu.dimension_semantics<subcore_parallel>], iteration_bounds = array<i64: 2, 16>, scalar_prefetch = 0 : i64, scratch_operands = 3 : i64, tpu.core_type = #tpu.core_type<sc_vector_subcore>, window_params = [{transform_indices = #map}, {transform_indices = #map}, {transform_indices = #map}]} {
    %mul3A = arith.constant 2 : i32
    %mul3A_0 = arith.muli %arg1, %mul3A : i32
    %add3A = arith.addi %mul3A_0, %arg0 : i32
    %mul3A_1 = arith.constant 32 : i32
    %mul3A_2 = arith.muli %add3A, %mul3A_1 : i32
    "tpu.region"() ({
      %run_scoped3A = tpu.sem_alloc : memref<!tpu.dma_semaphore, #tpu.memory_space<semaphore_mem>>
      %dma_start3A_145 = arith.constant 0 : i32
      %dma_start3A_146 = arith.constant 0 : i32
      %dma_start3A_147 = tpu.memref_slice %arg2[%add3A, %dma_start3A_145, %dma_start3A_146] : memref<32x8x4xi32, #tpu.memory_space<hbm>> -> memref<1x8x4xi32, #tpu.memory_space<hbm>>
      %dma_start3A_148 = tpu.memref_squeeze %dma_start3A_147 : memref<1x8x4xi32, #tpu.memory_space<hbm>> -> memref<8x4xi32, #tpu.memory_space<hbm>>
      %dma_start3A_149 = arith.constant 0 : i32
      %dma_start3A_150 = arith.constant 0 : i32
      %dma_start3A_151 = tpu.memref_slice %arg2[%add3A, %dma_start3A_149, %dma_start3A_150] : memref<32x8x4xi32, #tpu.memory_space<hbm>> -> memref<1x8x4xi32, #tpu.memory_space<hbm>>
      %dma_start3A_152 = tpu.memref_squeeze %dma_start3A_151 : memref<1x8x4xi32, #tpu.memory_space<hbm>> -> memref<8x4xi32, #tpu.memory_space<hbm>>
      tpu.enqueue_dma source(%dma_start3A_152 : memref<8x4xi32, #tpu.memory_space<hbm>>) target(%arg5 : memref<8x4xi32, #tpu.memory_space<vmem>>) target_semaphore(%run_scoped3A : memref<!tpu.dma_semaphore, #tpu.memory_space<semaphore_mem>>)
      %dma_wait3A_153 = arith.constant 0 : i32
      %dma_wait3A_154 = arith.constant 0 : i32
      %dma_wait3A_155 = tpu.memref_slice %arg2[%add3A, %dma_wait3A_153, %dma_wait3A_154] : memref<32x8x4xi32, #tpu.memory_space<hbm>> -> memref<1x8x4xi32, #tpu.memory_space<hbm>>
      %dma_wait3A_156 = tpu.memref_squeeze %dma_wait3A_155 : memref<1x8x4xi32, #tpu.memory_space<hbm>> -> memref<8x4xi32, #tpu.memory_space<hbm>>
      %dma_wait3A_157 = arith.constant 0 : i32
      %dma_wait3A_158 = arith.constant 0 : i32
      %dma_wait3A_159 = tpu.memref_slice %arg2[%add3A, %dma_wait3A_157, %dma_wait3A_158] : memref<32x8x4xi32, #tpu.memory_space<hbm>> -> memref<1x8x4xi32, #tpu.memory_space<hbm>>
      %dma_wait3A_160 = tpu.memref_squeeze %dma_wait3A_159 : memref<1x8x4xi32, #tpu.memory_space<hbm>> -> memref<8x4xi32, #tpu.memory_space<hbm>>
      tpu.wait_dma2 semaphore(%run_scoped3A : memref<!tpu.dma_semaphore, #tpu.memory_space<semaphore_mem>>) src(%dma_wait3A_160 : memref<8x4xi32, #tpu.memory_space<hbm>>) dst(%arg5 : memref<8x4xi32, #tpu.memory_space<vmem>>)
      tpu.yield
    }) : () -> ()
    %dma_start3A = arith.constant 0 : i32
    %dma_start3A_3 = arith.constant 0 : i32
    %dma_start3A_4 = tpu.memref_slice %arg5[%dma_start3A, %dma_start3A_3] : memref<8x4xi32, #tpu.memory_space<vmem>> -> memref<1x4xi32, #tpu.memory_space<vmem>>
    %dma_start3A_5 = tpu.memref_squeeze %dma_start3A_4 : memref<1x4xi32, #tpu.memory_space<vmem>> -> memref<4xi32, #tpu.memory_space<vmem>>
    %dma_start3A_6 = arith.constant 0 : i32
    %dma_start3A_7 = arith.constant 0 : i32
    %dma_start3A_8 = arith.constant 0 : i32
    %dma_start3A_9 = tpu.memref_slice %arg3[%dma_start3A_6, %dma_start3A_7, %dma_start3A_8] : memref<101x128x128xf32, #tpu.memory_space<hbm>> -> memref<101x128x128xf32, #tpu.memory_space<hbm>>
    tpu.enqueue_indirect_dma source(%dma_start3A_9 : memref<101x128x128xf32, #tpu.memory_space<hbm>>) target(%arg6 : memref<4x128x128xf32, #tpu.memory_space<vmem>>) offsets(%dma_start3A_5 : memref<4xi32, #tpu.memory_space<vmem>>) semaphore(%arg7 : memref<!tpu.dma_semaphore, #tpu.memory_space<semaphore_mem>>)
    %dma_wait3A = arith.constant 0 : i32
    %dma_wait3A_10 = arith.constant 0 : i32
    %dma_wait3A_11 = tpu.memref_slice %arg5[%dma_wait3A, %dma_wait3A_10] : memref<8x4xi32, #tpu.memory_space<vmem>> -> memref<1x4xi32, #tpu.memory_space<vmem>>
    %dma_wait3A_12 = tpu.memref_squeeze %dma_wait3A_11 : memref<1x4xi32, #tpu.memory_space<vmem>> -> memref<4xi32, #tpu.memory_space<vmem>>
    %dma_wait3A_13 = arith.constant 0 : i32
    %dma_wait3A_14 = arith.constant 0 : i32
    %dma_wait3A_15 = arith.constant 0 : i32
    %dma_wait3A_16 = tpu.memref_slice %arg3[%dma_wait3A_13, %dma_wait3A_14, %dma_wait3A_15] : memref<101x128x128xf32, #tpu.memory_space<hbm>> -> memref<101x128x128xf32, #tpu.memory_space<hbm>>
    tpu.wait_indirect_dma semaphore(%arg7 : memref<!tpu.dma_semaphore, #tpu.memory_space<semaphore_mem>>) src(%dma_wait3A_16 : memref<101x128x128xf32, #tpu.memory_space<hbm>>) dst(%arg6 : memref<4x128x128xf32, #tpu.memory_space<vmem>>)
    %add3A_17 = arith.constant 0 : i32
    %add3A_18 = arith.addi %mul3A_2, %add3A_17 : i32
    "tpu.region"() ({
      %run_scoped3A = tpu.sem_alloc : memref<!tpu.dma_semaphore, #tpu.memory_space<semaphore_mem>>
      %dma_start3A_145 = arith.constant 0 : i32
      %dma_start3A_146 = arith.constant 0 : i32
      %dma_start3A_147 = tpu.memref_slice %arg4[%add3A_18, %dma_start3A_145, %dma_start3A_146] : memref<1024x128x128xf32, #tpu.memory_space<hbm>> -> memref<4x128x128xf32, #tpu.memory_space<hbm>>
      %dma_start3A_148 = arith.constant 0 : i32
      %dma_start3A_149 = arith.constant 0 : i32
      %dma_start3A_150 = tpu.memref_slice %arg4[%add3A_18, %dma_start3A_148, %dma_start3A_149] : memref<1024x128x128xf32, #tpu.memory_space<hbm>> -> memref<4x128x128xf32, #tpu.memory_space<hbm>>
      tpu.enqueue_dma source(%arg6 : memref<4x128x128xf32, #tpu.memory_space<vmem>>) target(%dma_start3A_150 : memref<4x128x128xf32, #tpu.memory_space<hbm>>) target_semaphore(%run_scoped3A : memref<!tpu.dma_semaphore, #tpu.memory_space<semaphore_mem>>)
      %dma_wait3A_151 = arith.constant 0 : i32
      %dma_wait3A_152 = arith.constant 0 : i32
      %dma_wait3A_153 = tpu.memref_slice %arg4[%add3A_18, %dma_wait3A_151, %dma_wait3A_152] : memref<1024x128x128xf32, #tpu.memory_space<hbm>> -> memref<4x128x128xf32, #tpu.memory_space<hbm>>
      %dma_wait3A_154 = arith.constant 0 : i32
      %dma_wait3A_155 = arith.constant 0 : i32
      %dma_wait3A_156 = tpu.memref_slice %arg4[%add3A_18, %dma_wait3A_154, %dma_wait3A_155] : memref<1024x128x128xf32, #tpu.memory_space<hbm>> -> memref<4x128x128xf32, #tpu.memory_space<hbm>>
      tpu.wait_dma2 semaphore(%run_scoped3A : memref<!tpu.dma_semaphore, #tpu.memory_space<semaphore_mem>>) src(%arg6 : memref<4x128x128xf32, #tpu.memory_space<vmem>>) dst(%dma_wait3A_156 : memref<4x128x128xf32, #tpu.memory_space<hbm>>)
      tpu.yield
    }) : () -> ()
    %dma_start3A_19 = arith.constant 1 : i32
    %dma_start3A_20 = arith.constant 0 : i32
    %dma_start3A_21 = tpu.memref_slice %arg5[%dma_start3A_19, %dma_start3A_20] : memref<8x4xi32, #tpu.memory_space<vmem>> -> memref<1x4xi32, #tpu.memory_space<vmem>>
    %dma_start3A_22 = tpu.memref_squeeze %dma_start3A_21 : memref<1x4xi32, #tpu.memory_space<vmem>> -> memref<4xi32, #tpu.memory_space<vmem>>
    %dma_start3A_23 = arith.constant 0 : i32
    %dma_start3A_24 = arith.constant 0 : i32
    %dma_start3A_25 = arith.constant 0 : i32
    %dma_start3A_26 = tpu.memref_slice %arg3[%dma_start3A_23, %dma_start3A_24, %dma_start3A_25] : memref<101x128x128xf32, #tpu.memory_space<hbm>> -> memref<101x128x128xf32, #tpu.memory_space<hbm>>
    tpu.enqueue_indirect_dma source(%dma_start3A_26 : memref<101x128x128xf32, #tpu.memory_space<hbm>>) target(%arg6 : memref<4x128x128xf32, #tpu.memory_space<vmem>>) offsets(%dma_start3A_22 : memref<4xi32, #tpu.memory_space<vmem>>) semaphore(%arg7 : memref<!tpu.dma_semaphore, #tpu.memory_space<semaphore_mem>>)
    %dma_wait3A_27 = arith.constant 1 : i32
    %dma_wait3A_28 = arith.constant 0 : i32
    %dma_wait3A_29 = tpu.memref_slice %arg5[%dma_wait3A_27, %dma_wait3A_28] : memref<8x4xi32, #tpu.memory_space<vmem>> -> memref<1x4xi32, #tpu.memory_space<vmem>>
    %dma_wait3A_30 = tpu.memref_squeeze %dma_wait3A_29 : memref<1x4xi32, #tpu.memory_space<vmem>> -> memref<4xi32, #tpu.memory_space<vmem>>
    %dma_wait3A_31 = arith.constant 0 : i32
    %dma_wait3A_32 = arith.constant 0 : i32
    %dma_wait3A_33 = arith.constant 0 : i32
    %dma_wait3A_34 = tpu.memref_slice %arg3[%dma_wait3A_31, %dma_wait3A_32, %dma_wait3A_33] : memref<101x128x128xf32, #tpu.memory_space<hbm>> -> memref<101x128x128xf32, #tpu.memory_space<hbm>>
    tpu.wait_indirect_dma semaphore(%arg7 : memref<!tpu.dma_semaphore, #tpu.memory_space<semaphore_mem>>) src(%dma_wait3A_34 : memref<101x128x128xf32, #tpu.memory_space<hbm>>) dst(%arg6 : memref<4x128x128xf32, #tpu.memory_space<vmem>>)
    %add3A_35 = arith.constant 4 : i32
    %add3A_36 = arith.addi %mul3A_2, %add3A_35 : i32
    "tpu.region"() ({
      %run_scoped3A = tpu.sem_alloc : memref<!tpu.dma_semaphore, #tpu.memory_space<semaphore_mem>>
      %dma_start3A_145 = arith.constant 0 : i32
      %dma_start3A_146 = arith.constant 0 : i32
      %dma_start3A_147 = tpu.memref_slice %arg4[%add3A_36, %dma_start3A_145, %dma_start3A_146] : memref<1024x128x128xf32, #tpu.memory_space<hbm>> -> memref<4x128x128xf32, #tpu.memory_space<hbm>>
      %dma_start3A_148 = arith.constant 0 : i32
      %dma_start3A_149 = arith.constant 0 : i32
      %dma_start3A_150 = tpu.memref_slice %arg4[%add3A_36, %dma_start3A_148, %dma_start3A_149] : memref<1024x128x128xf32, #tpu.memory_space<hbm>> -> memref<4x128x128xf32, #tpu.memory_space<hbm>>
      tpu.enqueue_dma source(%arg6 : memref<4x128x128xf32, #tpu.memory_space<vmem>>) target(%dma_start3A_150 : memref<4x128x128xf32, #tpu.memory_space<hbm>>) target_semaphore(%run_scoped3A : memref<!tpu.dma_semaphore, #tpu.memory_space<semaphore_mem>>)
      %dma_wait3A_151 = arith.constant 0 : i32
      %dma_wait3A_152 = arith.constant 0 : i32
      %dma_wait3A_153 = tpu.memref_slice %arg4[%add3A_36, %dma_wait3A_151, %dma_wait3A_152] : memref<1024x128x128xf32, #tpu.memory_space<hbm>> -> memref<4x128x128xf32, #tpu.memory_space<hbm>>
      %dma_wait3A_154 = arith.constant 0 : i32
      %dma_wait3A_155 = arith.constant 0 : i32
      %dma_wait3A_156 = tpu.memref_slice %arg4[%add3A_36, %dma_wait3A_154, %dma_wait3A_155] : memref<1024x128x128xf32, #tpu.memory_space<hbm>> -> memref<4x128x128xf32, #tpu.memory_space<hbm>>
      tpu.wait_dma2 semaphore(%run_scoped3A : memref<!tpu.dma_semaphore, #tpu.memory_space<semaphore_mem>>) src(%arg6 : memref<4x128x128xf32, #tpu.memory_space<vmem>>) dst(%dma_wait3A_156 : memref<4x128x128xf32, #tpu.memory_space<hbm>>)
      tpu.yield
    }) : () -> ()
    %dma_start3A_37 = arith.constant 2 : i32
    %dma_start3A_38 = arith.constant 0 : i32
    %dma_start3A_39 = tpu.memref_slice %arg5[%dma_start3A_37, %dma_start3A_38] : memref<8x4xi32, #tpu.memory_space<vmem>> -> memref<1x4xi32, #tpu.memory_space<vmem>>
    %dma_start3A_40 = tpu.memref_squeeze %dma_start3A_39 : memref<1x4xi32, #tpu.memory_space<vmem>> -> memref<4xi32, #tpu.memory_space<vmem>>
    %dma_start3A_41 = arith.constant 0 : i32
    %dma_start3A_42 = arith.constant 0 : i32
    %dma_start3A_43 = arith.constant 0 : i32
    %dma_start3A_44 = tpu.memref_slice %arg3[%dma_start3A_41, %dma_start3A_42, %dma_start3A_43] : memref<101x128x128xf32, #tpu.memory_space<hbm>> -> memref<101x128x128xf32, #tpu.memory_space<hbm>>
    tpu.enqueue_indirect_dma source(%dma_start3A_44 : memref<101x128x128xf32, #tpu.memory_space<hbm>>) target(%arg6 : memref<4x128x128xf32, #tpu.memory_space<vmem>>) offsets(%dma_start3A_40 : memref<4xi32, #tpu.memory_space<vmem>>) semaphore(%arg7 : memref<!tpu.dma_semaphore, #tpu.memory_space<semaphore_mem>>)
    %dma_wait3A_45 = arith.constant 2 : i32
    %dma_wait3A_46 = arith.constant 0 : i32
    %dma_wait3A_47 = tpu.memref_slice %arg5[%dma_wait3A_45, %dma_wait3A_46] : memref<8x4xi32, #tpu.memory_space<vmem>> -> memref<1x4xi32, #tpu.memory_space<vmem>>
    %dma_wait3A_48 = tpu.memref_squeeze %dma_wait3A_47 : memref<1x4xi32, #tpu.memory_space<vmem>> -> memref<4xi32, #tpu.memory_space<vmem>>
    %dma_wait3A_49 = arith.constant 0 : i32
    %dma_wait3A_50 = arith.constant 0 : i32
    %dma_wait3A_51 = arith.constant 0 : i32
    %dma_wait3A_52 = tpu.memref_slice %arg3[%dma_wait3A_49, %dma_wait3A_50, %dma_wait3A_51] : memref<101x128x128xf32, #tpu.memory_space<hbm>> -> memref<101x128x128xf32, #tpu.memory_space<hbm>>
    tpu.wait_indirect_dma semaphore(%arg7 : memref<!tpu.dma_semaphore, #tpu.memory_space<semaphore_mem>>) src(%dma_wait3A_52 : memref<101x128x128xf32, #tpu.memory_space<hbm>>) dst(%arg6 : memref<4x128x128xf32, #tpu.memory_space<vmem>>)
    %add3A_53 = arith.constant 8 : i32
    %add3A_54 = arith.addi %mul3A_2, %add3A_53 : i32
    "tpu.region"() ({
      %run_scoped3A = tpu.sem_alloc : memref<!tpu.dma_semaphore, #tpu.memory_space<semaphore_mem>>
      %dma_start3A_145 = arith.constant 0 : i32
      %dma_start3A_146 = arith.constant 0 : i32
      %dma_start3A_147 = tpu.memref_slice %arg4[%add3A_54, %dma_start3A_145, %dma_start3A_146] : memref<1024x128x128xf32, #tpu.memory_space<hbm>> -> memref<4x128x128xf32, #tpu.memory_space<hbm>>
      %dma_start3A_148 = arith.constant 0 : i32
      %dma_start3A_149 = arith.constant 0 : i32
      %dma_start3A_150 = tpu.memref_slice %arg4[%add3A_54, %dma_start3A_148, %dma_start3A_149] : memref<1024x128x128xf32, #tpu.memory_space<hbm>> -> memref<4x128x128xf32, #tpu.memory_space<hbm>>
      tpu.enqueue_dma source(%arg6 : memref<4x128x128xf32, #tpu.memory_space<vmem>>) target(%dma_start3A_150 : memref<4x128x128xf32, #tpu.memory_space<hbm>>) target_semaphore(%run_scoped3A : memref<!tpu.dma_semaphore, #tpu.memory_space<semaphore_mem>>)
      %dma_wait3A_151 = arith.constant 0 : i32
      %dma_wait3A_152 = arith.constant 0 : i32
      %dma_wait3A_153 = tpu.memref_slice %arg4[%add3A_54, %dma_wait3A_151, %dma_wait3A_152] : memref<1024x128x128xf32, #tpu.memory_space<hbm>> -> memref<4x128x128xf32, #tpu.memory_space<hbm>>
      %dma_wait3A_154 = arith.constant 0 : i32
      %dma_wait3A_155 = arith.constant 0 : i32
      %dma_wait3A_156 = tpu.memref_slice %arg4[%add3A_54, %dma_wait3A_154, %dma_wait3A_155] : memref<1024x128x128xf32, #tpu.memory_space<hbm>> -> memref<4x128x128xf32, #tpu.memory_space<hbm>>
      tpu.wait_dma2 semaphore(%run_scoped3A : memref<!tpu.dma_semaphore, #tpu.memory_space<semaphore_mem>>) src(%arg6 : memref<4x128x128xf32, #tpu.memory_space<vmem>>) dst(%dma_wait3A_156 : memref<4x128x128xf32, #tpu.memory_space<hbm>>)
      tpu.yield
    }) : () -> ()
    %dma_start3A_55 = arith.constant 3 : i32
    %dma_start3A_56 = arith.constant 0 : i32
    %dma_start3A_57 = tpu.memref_slice %arg5[%dma_start3A_55, %dma_start3A_56] : memref<8x4xi32, #tpu.memory_space<vmem>> -> memref<1x4xi32, #tpu.memory_space<vmem>>
    %dma_start3A_58 = tpu.memref_squeeze %dma_start3A_57 : memref<1x4xi32, #tpu.memory_space<vmem>> -> memref<4xi32, #tpu.memory_space<vmem>>
    %dma_start3A_59 = arith.constant 0 : i32
    %dma_start3A_60 = arith.constant 0 : i32
    %dma_start3A_61 = arith.constant 0 : i32
    %dma_start3A_62 = tpu.memref_slice %arg3[%dma_start3A_59, %dma_start3A_60, %dma_start3A_61] : memref<101x128x128xf32, #tpu.memory_space<hbm>> -> memref<101x128x128xf32, #tpu.memory_space<hbm>>
    tpu.enqueue_indirect_dma source(%dma_start3A_62 : memref<101x128x128xf32, #tpu.memory_space<hbm>>) target(%arg6 : memref<4x128x128xf32, #tpu.memory_space<vmem>>) offsets(%dma_start3A_58 : memref<4xi32, #tpu.memory_space<vmem>>) semaphore(%arg7 : memref<!tpu.dma_semaphore, #tpu.memory_space<semaphore_mem>>)
    %dma_wait3A_63 = arith.constant 3 : i32
    %dma_wait3A_64 = arith.constant 0 : i32
    %dma_wait3A_65 = tpu.memref_slice %arg5[%dma_wait3A_63, %dma_wait3A_64] : memref<8x4xi32, #tpu.memory_space<vmem>> -> memref<1x4xi32, #tpu.memory_space<vmem>>
    %dma_wait3A_66 = tpu.memref_squeeze %dma_wait3A_65 : memref<1x4xi32, #tpu.memory_space<vmem>> -> memref<4xi32, #tpu.memory_space<vmem>>
    %dma_wait3A_67 = arith.constant 0 : i32
    %dma_wait3A_68 = arith.constant 0 : i32
    %dma_wait3A_69 = arith.constant 0 : i32
    %dma_wait3A_70 = tpu.memref_slice %arg3[%dma_wait3A_67, %dma_wait3A_68, %dma_wait3A_69] : memref<101x128x128xf32, #tpu.memory_space<hbm>> -> memref<101x128x128xf32, #tpu.memory_space<hbm>>
    tpu.wait_indirect_dma semaphore(%arg7 : memref<!tpu.dma_semaphore, #tpu.memory_space<semaphore_mem>>) src(%dma_wait3A_70 : memref<101x128x128xf32, #tpu.memory_space<hbm>>) dst(%arg6 : memref<4x128x128xf32, #tpu.memory_space<vmem>>)
    %add3A_71 = arith.constant 12 : i32
    %add3A_72 = arith.addi %mul3A_2, %add3A_71 : i32
    "tpu.region"() ({
      %run_scoped3A = tpu.sem_alloc : memref<!tpu.dma_semaphore, #tpu.memory_space<semaphore_mem>>
      %dma_start3A_145 = arith.constant 0 : i32
      %dma_start3A_146 = arith.constant 0 : i32
      %dma_start3A_147 = tpu.memref_slice %arg4[%add3A_72, %dma_start3A_145, %dma_start3A_146] : memref<1024x128x128xf32, #tpu.memory_space<hbm>> -> memref<4x128x128xf32, #tpu.memory_space<hbm>>
      %dma_start3A_148 = arith.constant 0 : i32
      %dma_start3A_149 = arith.constant 0 : i32
      %dma_start3A_150 = tpu.memref_slice %arg4[%add3A_72, %dma_start3A_148, %dma_start3A_149] : memref<1024x128x128xf32, #tpu.memory_space<hbm>> -> memref<4x128x128xf32, #tpu.memory_space<hbm>>
      tpu.enqueue_dma source(%arg6 : memref<4x128x128xf32, #tpu.memory_space<vmem>>) target(%dma_start3A_150 : memref<4x128x128xf32, #tpu.memory_space<hbm>>) target_semaphore(%run_scoped3A : memref<!tpu.dma_semaphore, #tpu.memory_space<semaphore_mem>>)
      %dma_wait3A_151 = arith.constant 0 : i32
      %dma_wait3A_152 = arith.constant 0 : i32
      %dma_wait3A_153 = tpu.memref_slice %arg4[%add3A_72, %dma_wait3A_151, %dma_wait3A_152] : memref<1024x128x128xf32, #tpu.memory_space<hbm>> -> memref<4x128x128xf32, #tpu.memory_space<hbm>>
      %dma_wait3A_154 = arith.constant 0 : i32
      %dma_wait3A_155 = arith.constant 0 : i32
      %dma_wait3A_156 = tpu.memref_slice %arg4[%add3A_72, %dma_wait3A_154, %dma_wait3A_155] : memref<1024x128x128xf32, #tpu.memory_space<hbm>> -> memref<4x128x128xf32, #tpu.memory_space<hbm>>
      tpu.wait_dma2 semaphore(%run_scoped3A : memref<!tpu.dma_semaphore, #tpu.memory_space<semaphore_mem>>) src(%arg6 : memref<4x128x128xf32, #tpu.memory_space<vmem>>) dst(%dma_wait3A_156 : memref<4x128x128xf32, #tpu.memory_space<hbm>>)
      tpu.yield
    }) : () -> ()
    %dma_start3A_73 = arith.constant 4 : i32
    %dma_start3A_74 = arith.constant 0 : i32
    %dma_start3A_75 = tpu.memref_slice %arg5[%dma_start3A_73, %dma_start3A_74] : memref<8x4xi32, #tpu.memory_space<vmem>> -> memref<1x4xi32, #tpu.memory_space<vmem>>
    %dma_start3A_76 = tpu.memref_squeeze %dma_start3A_75 : memref<1x4xi32, #tpu.memory_space<vmem>> -> memref<4xi32, #tpu.memory_space<vmem>>
    %dma_start3A_77 = arith.constant 0 : i32
    %dma_start3A_78 = arith.constant 0 : i32
    %dma_start3A_79 = arith.constant 0 : i32
    %dma_start3A_80 = tpu.memref_slice %arg3[%dma_start3A_77, %dma_start3A_78, %dma_start3A_79] : memref<101x128x128xf32, #tpu.memory_space<hbm>> -> memref<101x128x128xf32, #tpu.memory_space<hbm>>
    tpu.enqueue_indirect_dma source(%dma_start3A_80 : memref<101x128x128xf32, #tpu.memory_space<hbm>>) target(%arg6 : memref<4x128x128xf32, #tpu.memory_space<vmem>>) offsets(%dma_start3A_76 : memref<4xi32, #tpu.memory_space<vmem>>) semaphore(%arg7 : memref<!tpu.dma_semaphore, #tpu.memory_space<semaphore_mem>>)
    %dma_wait3A_81 = arith.constant 4 : i32
    %dma_wait3A_82 = arith.constant 0 : i32
    %dma_wait3A_83 = tpu.memref_slice %arg5[%dma_wait3A_81, %dma_wait3A_82] : memref<8x4xi32, #tpu.memory_space<vmem>> -> memref<1x4xi32, #tpu.memory_space<vmem>>
    %dma_wait3A_84 = tpu.memref_squeeze %dma_wait3A_83 : memref<1x4xi32, #tpu.memory_space<vmem>> -> memref<4xi32, #tpu.memory_space<vmem>>
    %dma_wait3A_85 = arith.constant 0 : i32
    %dma_wait3A_86 = arith.constant 0 : i32
    %dma_wait3A_87 = arith.constant 0 : i32
    %dma_wait3A_88 = tpu.memref_slice %arg3[%dma_wait3A_85, %dma_wait3A_86, %dma_wait3A_87] : memref<101x128x128xf32, #tpu.memory_space<hbm>> -> memref<101x128x128xf32, #tpu.memory_space<hbm>>
    tpu.wait_indirect_dma semaphore(%arg7 : memref<!tpu.dma_semaphore, #tpu.memory_space<semaphore_mem>>) src(%dma_wait3A_88 : memref<101x128x128xf32, #tpu.memory_space<hbm>>) dst(%arg6 : memref<4x128x128xf32, #tpu.memory_space<vmem>>)
    %add3A_89 = arith.constant 16 : i32
    %add3A_90 = arith.addi %mul3A_2, %add3A_89 : i32
    "tpu.region"() ({
      %run_scoped3A = tpu.sem_alloc : memref<!tpu.dma_semaphore, #tpu.memory_space<semaphore_mem>>
      %dma_start3A_145 = arith.constant 0 : i32
      %dma_start3A_146 = arith.constant 0 : i32
      %dma_start3A_147 = tpu.memref_slice %arg4[%add3A_90, %dma_start3A_145, %dma_start3A_146] : memref<1024x128x128xf32, #tpu.memory_space<hbm>> -> memref<4x128x128xf32, #tpu.memory_space<hbm>>
      %dma_start3A_148 = arith.constant 0 : i32
      %dma_start3A_149 = arith.constant 0 : i32
      %dma_start3A_150 = tpu.memref_slice %arg4[%add3A_90, %dma_start3A_148, %dma_start3A_149] : memref<1024x128x128xf32, #tpu.memory_space<hbm>> -> memref<4x128x128xf32, #tpu.memory_space<hbm>>
      tpu.enqueue_dma source(%arg6 : memref<4x128x128xf32, #tpu.memory_space<vmem>>) target(%dma_start3A_150 : memref<4x128x128xf32, #tpu.memory_space<hbm>>) target_semaphore(%run_scoped3A : memref<!tpu.dma_semaphore, #tpu.memory_space<semaphore_mem>>)
      %dma_wait3A_151 = arith.constant 0 : i32
      %dma_wait3A_152 = arith.constant 0 : i32
      %dma_wait3A_153 = tpu.memref_slice %arg4[%add3A_90, %dma_wait3A_151, %dma_wait3A_152] : memref<1024x128x128xf32, #tpu.memory_space<hbm>> -> memref<4x128x128xf32, #tpu.memory_space<hbm>>
      %dma_wait3A_154 = arith.constant 0 : i32
      %dma_wait3A_155 = arith.constant 0 : i32
      %dma_wait3A_156 = tpu.memref_slice %arg4[%add3A_90, %dma_wait3A_154, %dma_wait3A_155] : memref<1024x128x128xf32, #tpu.memory_space<hbm>> -> memref<4x128x128xf32, #tpu.memory_space<hbm>>
      tpu.wait_dma2 semaphore(%run_scoped3A : memref<!tpu.dma_semaphore, #tpu.memory_space<semaphore_mem>>) src(%arg6 : memref<4x128x128xf32, #tpu.memory_space<vmem>>) dst(%dma_wait3A_156 : memref<4x128x128xf32, #tpu.memory_space<hbm>>)
      tpu.yield
    }) : () -> ()
    %dma_start3A_91 = arith.constant 5 : i32
    %dma_start3A_92 = arith.constant 0 : i32
    %dma_start3A_93 = tpu.memref_slice %arg5[%dma_start3A_91, %dma_start3A_92] : memref<8x4xi32, #tpu.memory_space<vmem>> -> memref<1x4xi32, #tpu.memory_space<vmem>>
    %dma_start3A_94 = tpu.memref_squeeze %dma_start3A_93 : memref<1x4xi32, #tpu.memory_space<vmem>> -> memref<4xi32, #tpu.memory_space<vmem>>
    %dma_start3A_95 = arith.constant 0 : i32
    %dma_start3A_96 = arith.constant 0 : i32
    %dma_start3A_97 = arith.constant 0 : i32
    %dma_start3A_98 = tpu.memref_slice %arg3[%dma_start3A_95, %dma_start3A_96, %dma_start3A_97] : memref<101x128x128xf32, #tpu.memory_space<hbm>> -> memref<101x128x128xf32, #tpu.memory_space<hbm>>
    tpu.enqueue_indirect_dma source(%dma_start3A_98 : memref<101x128x128xf32, #tpu.memory_space<hbm>>) target(%arg6 : memref<4x128x128xf32, #tpu.memory_space<vmem>>) offsets(%dma_start3A_94 : memref<4xi32, #tpu.memory_space<vmem>>) semaphore(%arg7 : memref<!tpu.dma_semaphore, #tpu.memory_space<semaphore_mem>>)
    %dma_wait3A_99 = arith.constant 5 : i32
    %dma_wait3A_100 = arith.constant 0 : i32
    %dma_wait3A_101 = tpu.memref_slice %arg5[%dma_wait3A_99, %dma_wait3A_100] : memref<8x4xi32, #tpu.memory_space<vmem>> -> memref<1x4xi32, #tpu.memory_space<vmem>>
    %dma_wait3A_102 = tpu.memref_squeeze %dma_wait3A_101 : memref<1x4xi32, #tpu.memory_space<vmem>> -> memref<4xi32, #tpu.memory_space<vmem>>
    %dma_wait3A_103 = arith.constant 0 : i32
    %dma_wait3A_104 = arith.constant 0 : i32
    %dma_wait3A_105 = arith.constant 0 : i32
    %dma_wait3A_106 = tpu.memref_slice %arg3[%dma_wait3A_103, %dma_wait3A_104, %dma_wait3A_105] : memref<101x128x128xf32, #tpu.memory_space<hbm>> -> memref<101x128x128xf32, #tpu.memory_space<hbm>>
    tpu.wait_indirect_dma semaphore(%arg7 : memref<!tpu.dma_semaphore, #tpu.memory_space<semaphore_mem>>) src(%dma_wait3A_106 : memref<101x128x128xf32, #tpu.memory_space<hbm>>) dst(%arg6 : memref<4x128x128xf32, #tpu.memory_space<vmem>>)
    %add3A_107 = arith.constant 20 : i32
    %add3A_108 = arith.addi %mul3A_2, %add3A_107 : i32
    "tpu.region"() ({
      %run_scoped3A = tpu.sem_alloc : memref<!tpu.dma_semaphore, #tpu.memory_space<semaphore_mem>>
      %dma_start3A_145 = arith.constant 0 : i32
      %dma_start3A_146 = arith.constant 0 : i32
      %dma_start3A_147 = tpu.memref_slice %arg4[%add3A_108, %dma_start3A_145, %dma_start3A_146] : memref<1024x128x128xf32, #tpu.memory_space<hbm>> -> memref<4x128x128xf32, #tpu.memory_space<hbm>>
      %dma_start3A_148 = arith.constant 0 : i32
      %dma_start3A_149 = arith.constant 0 : i32
      %dma_start3A_150 = tpu.memref_slice %arg4[%add3A_108, %dma_start3A_148, %dma_start3A_149] : memref<1024x128x128xf32, #tpu.memory_space<hbm>> -> memref<4x128x128xf32, #tpu.memory_space<hbm>>
      tpu.enqueue_dma source(%arg6 : memref<4x128x128xf32, #tpu.memory_space<vmem>>) target(%dma_start3A_150 : memref<4x128x128xf32, #tpu.memory_space<hbm>>) target_semaphore(%run_scoped3A : memref<!tpu.dma_semaphore, #tpu.memory_space<semaphore_mem>>)
      %dma_wait3A_151 = arith.constant 0 : i32
      %dma_wait3A_152 = arith.constant 0 : i32
      %dma_wait3A_153 = tpu.memref_slice %arg4[%add3A_108, %dma_wait3A_151, %dma_wait3A_152] : memref<1024x128x128xf32, #tpu.memory_space<hbm>> -> memref<4x128x128xf32, #tpu.memory_space<hbm>>
      %dma_wait3A_154 = arith.constant 0 : i32
      %dma_wait3A_155 = arith.constant 0 : i32
      %dma_wait3A_156 = tpu.memref_slice %arg4[%add3A_108, %dma_wait3A_154, %dma_wait3A_155] : memref<1024x128x128xf32, #tpu.memory_space<hbm>> -> memref<4x128x128xf32, #tpu.memory_space<hbm>>
      tpu.wait_dma2 semaphore(%run_scoped3A : memref<!tpu.dma_semaphore, #tpu.memory_space<semaphore_mem>>) src(%arg6 : memref<4x128x128xf32, #tpu.memory_space<vmem>>) dst(%dma_wait3A_156 : memref<4x128x128xf32, #tpu.memory_space<hbm>>)
      tpu.yield
    }) : () -> ()
    %dma_start3A_109 = arith.constant 6 : i32
    %dma_start3A_110 = arith.constant 0 : i32
    %dma_start3A_111 = tpu.memref_slice %arg5[%dma_start3A_109, %dma_start3A_110] : memref<8x4xi32, #tpu.memory_space<vmem>> -> memref<1x4xi32, #tpu.memory_space<vmem>>
    %dma_start3A_112 = tpu.memref_squeeze %dma_start3A_111 : memref<1x4xi32, #tpu.memory_space<vmem>> -> memref<4xi32, #tpu.memory_space<vmem>>
    %dma_start3A_113 = arith.constant 0 : i32
    %dma_start3A_114 = arith.constant 0 : i32
    %dma_start3A_115 = arith.constant 0 : i32
    %dma_start3A_116 = tpu.memref_slice %arg3[%dma_start3A_113, %dma_start3A_114, %dma_start3A_115] : memref<101x128x128xf32, #tpu.memory_space<hbm>> -> memref<101x128x128xf32, #tpu.memory_space<hbm>>
    tpu.enqueue_indirect_dma source(%dma_start3A_116 : memref<101x128x128xf32, #tpu.memory_space<hbm>>) target(%arg6 : memref<4x128x128xf32, #tpu.memory_space<vmem>>) offsets(%dma_start3A_112 : memref<4xi32, #tpu.memory_space<vmem>>) semaphore(%arg7 : memref<!tpu.dma_semaphore, #tpu.memory_space<semaphore_mem>>)
    %dma_wait3A_117 = arith.constant 6 : i32
    %dma_wait3A_118 = arith.constant 0 : i32
    %dma_wait3A_119 = tpu.memref_slice %arg5[%dma_wait3A_117, %dma_wait3A_118] : memref<8x4xi32, #tpu.memory_space<vmem>> -> memref<1x4xi32, #tpu.memory_space<vmem>>
    %dma_wait3A_120 = tpu.memref_squeeze %dma_wait3A_119 : memref<1x4xi32, #tpu.memory_space<vmem>> -> memref<4xi32, #tpu.memory_space<vmem>>
    %dma_wait3A_121 = arith.constant 0 : i32
    %dma_wait3A_122 = arith.constant 0 : i32
    %dma_wait3A_123 = arith.constant 0 : i32
    %dma_wait3A_124 = tpu.memref_slice %arg3[%dma_wait3A_121, %dma_wait3A_122, %dma_wait3A_123] : memref<101x128x128xf32, #tpu.memory_space<hbm>> -> memref<101x128x128xf32, #tpu.memory_space<hbm>>
    tpu.wait_indirect_dma semaphore(%arg7 : memref<!tpu.dma_semaphore, #tpu.memory_space<semaphore_mem>>) src(%dma_wait3A_124 : memref<101x128x128xf32, #tpu.memory_space<hbm>>) dst(%arg6 : memref<4x128x128xf32, #tpu.memory_space<vmem>>)
    %add3A_125 = arith.constant 24 : i32
    %add3A_126 = arith.addi %mul3A_2, %add3A_125 : i32
    "tpu.region"() ({
      %run_scoped3A = tpu.sem_alloc : memref<!tpu.dma_semaphore, #tpu.memory_space<semaphore_mem>>
      %dma_start3A_145 = arith.constant 0 : i32
      %dma_start3A_146 = arith.constant 0 : i32
      %dma_start3A_147 = tpu.memref_slice %arg4[%add3A_126, %dma_start3A_145, %dma_start3A_146] : memref<1024x128x128xf32, #tpu.memory_space<hbm>> -> memref<4x128x128xf32, #tpu.memory_space<hbm>>
      %dma_start3A_148 = arith.constant 0 : i32
      %dma_start3A_149 = arith.constant 0 : i32
      %dma_start3A_150 = tpu.memref_slice %arg4[%add3A_126, %dma_start3A_148, %dma_start3A_149] : memref<1024x128x128xf32, #tpu.memory_space<hbm>> -> memref<4x128x128xf32, #tpu.memory_space<hbm>>
      tpu.enqueue_dma source(%arg6 : memref<4x128x128xf32, #tpu.memory_space<vmem>>) target(%dma_start3A_150 : memref<4x128x128xf32, #tpu.memory_space<hbm>>) target_semaphore(%run_scoped3A : memref<!tpu.dma_semaphore, #tpu.memory_space<semaphore_mem>>)
      %dma_wait3A_151 = arith.constant 0 : i32
      %dma_wait3A_152 = arith.constant 0 : i32
      %dma_wait3A_153 = tpu.memref_slice %arg4[%add3A_126, %dma_wait3A_151, %dma_wait3A_152] : memref<1024x128x128xf32, #tpu.memory_space<hbm>> -> memref<4x128x128xf32, #tpu.memory_space<hbm>>
      %dma_wait3A_154 = arith.constant 0 : i32
      %dma_wait3A_155 = arith.constant 0 : i32
      %dma_wait3A_156 = tpu.memref_slice %arg4[%add3A_126, %dma_wait3A_154, %dma_wait3A_155] : memref<1024x128x128xf32, #tpu.memory_space<hbm>> -> memref<4x128x128xf32, #tpu.memory_space<hbm>>
      tpu.wait_dma2 semaphore(%run_scoped3A : memref<!tpu.dma_semaphore, #tpu.memory_space<semaphore_mem>>) src(%arg6 : memref<4x128x128xf32, #tpu.memory_space<vmem>>) dst(%dma_wait3A_156 : memref<4x128x128xf32, #tpu.memory_space<hbm>>)
      tpu.yield
    }) : () -> ()
    %dma_start3A_127 = arith.constant 7 : i32
    %dma_start3A_128 = arith.constant 0 : i32
    %dma_start3A_129 = tpu.memref_slice %arg5[%dma_start3A_127, %dma_start3A_128] : memref<8x4xi32, #tpu.memory_space<vmem>> -> memref<1x4xi32, #tpu.memory_space<vmem>>
    %dma_start3A_130 = tpu.memref_squeeze %dma_start3A_129 : memref<1x4xi32, #tpu.memory_space<vmem>> -> memref<4xi32, #tpu.memory_space<vmem>>
    %dma_start3A_131 = arith.constant 0 : i32
    %dma_start3A_132 = arith.constant 0 : i32
    %dma_start3A_133 = arith.constant 0 : i32
    %dma_start3A_134 = tpu.memref_slice %arg3[%dma_start3A_131, %dma_start3A_132, %dma_start3A_133] : memref<101x128x128xf32, #tpu.memory_space<hbm>> -> memref<101x128x128xf32, #tpu.memory_space<hbm>>
    tpu.enqueue_indirect_dma source(%dma_start3A_134 : memref<101x128x128xf32, #tpu.memory_space<hbm>>) target(%arg6 : memref<4x128x128xf32, #tpu.memory_space<vmem>>) offsets(%dma_start3A_130 : memref<4xi32, #tpu.memory_space<vmem>>) semaphore(%arg7 : memref<!tpu.dma_semaphore, #tpu.memory_space<semaphore_mem>>)
    %dma_wait3A_135 = arith.constant 7 : i32
    %dma_wait3A_136 = arith.constant 0 : i32
    %dma_wait3A_137 = tpu.memref_slice %arg5[%dma_wait3A_135, %dma_wait3A_136] : memref<8x4xi32, #tpu.memory_space<vmem>> -> memref<1x4xi32, #tpu.memory_space<vmem>>
    %dma_wait3A_138 = tpu.memref_squeeze %dma_wait3A_137 : memref<1x4xi32, #tpu.memory_space<vmem>> -> memref<4xi32, #tpu.memory_space<vmem>>
    %dma_wait3A_139 = arith.constant 0 : i32
    %dma_wait3A_140 = arith.constant 0 : i32
    %dma_wait3A_141 = arith.constant 0 : i32
    %dma_wait3A_142 = tpu.memref_slice %arg3[%dma_wait3A_139, %dma_wait3A_140, %dma_wait3A_141] : memref<101x128x128xf32, #tpu.memory_space<hbm>> -> memref<101x128x128xf32, #tpu.memory_space<hbm>>
    tpu.wait_indirect_dma semaphore(%arg7 : memref<!tpu.dma_semaphore, #tpu.memory_space<semaphore_mem>>) src(%dma_wait3A_142 : memref<101x128x128xf32, #tpu.memory_space<hbm>>) dst(%arg6 : memref<4x128x128xf32, #tpu.memory_space<vmem>>)
    %add3A_143 = arith.constant 28 : i32
    %add3A_144 = arith.addi %mul3A_2, %add3A_143 : i32
    "tpu.region"() ({
      %run_scoped3A = tpu.sem_alloc : memref<!tpu.dma_semaphore, #tpu.memory_space<semaphore_mem>>
      %dma_start3A_145 = arith.constant 0 : i32
      %dma_start3A_146 = arith.constant 0 : i32
      %dma_start3A_147 = tpu.memref_slice %arg4[%add3A_144, %dma_start3A_145, %dma_start3A_146] : memref<1024x128x128xf32, #tpu.memory_space<hbm>> -> memref<4x128x128xf32, #tpu.memory_space<hbm>>
      %dma_start3A_148 = arith.constant 0 : i32
      %dma_start3A_149 = arith.constant 0 : i32
      %dma_start3A_150 = tpu.memref_slice %arg4[%add3A_144, %dma_start3A_148, %dma_start3A_149] : memref<1024x128x128xf32, #tpu.memory_space<hbm>> -> memref<4x128x128xf32, #tpu.memory_space<hbm>>
      tpu.enqueue_dma source(%arg6 : memref<4x128x128xf32, #tpu.memory_space<vmem>>) target(%dma_start3A_150 : memref<4x128x128xf32, #tpu.memory_space<hbm>>) target_semaphore(%run_scoped3A : memref<!tpu.dma_semaphore, #tpu.memory_space<semaphore_mem>>)
      %dma_wait3A_151 = arith.constant 0 : i32
      %dma_wait3A_152 = arith.constant 0 : i32
      %dma_wait3A_153 = tpu.memref_slice %arg4[%add3A_144, %dma_wait3A_151, %dma_wait3A_152] : memref<1024x128x128xf32, #tpu.memory_space<hbm>> -> memref<4x128x128xf32, #tpu.memory_space<hbm>>
      %dma_wait3A_154 = arith.constant 0 : i32
      %dma_wait3A_155 = arith.constant 0 : i32
      %dma_wait3A_156 = tpu.memref_slice %arg4[%add3A_144, %dma_wait3A_154, %dma_wait3A_155] : memref<1024x128x128xf32, #tpu.memory_space<hbm>> -> memref<4x128x128xf32, #tpu.memory_space<hbm>>
      tpu.wait_dma2 semaphore(%run_scoped3A : memref<!tpu.dma_semaphore, #tpu.memory_space<semaphore_mem>>) src(%arg6 : memref<4x128x128xf32, #tpu.memory_space<vmem>>) dst(%dma_wait3A_156 : memref<4x128x128xf32, #tpu.memory_space<hbm>>)
      tpu.yield
    }) : () -> ()
    return
  }
}

module attributes {stable_mosaic.version = 14 : i64} {
  func.func @_table_body(%arg0: memref<128x128xf32, #tpu.memory_space<vmem>>, %arg1: memref<100x128x128xf32, #tpu.memory_space<vmem>>, %arg2: memref<101x128x128xf32, #tpu.memory_space<vmem>>) attributes {dimension_semantics = [], scalar_prefetch = 0 : i64, scratch_operands = 0 : i64, tpu.core_type = #tpu.core_type<tc>} {
    %get3A = arith.constant 0 : index
    %get3A_0 = arith.constant 0 : index
    %get3A_1 = vector.load %arg0[%get3A, %get3A_0] : memref<128x128xf32, #tpu.memory_space<vmem>>, vector<128x128xf32>
    %broadcast_in_dim3A = vector.shape_cast %get3A_1 : vector<128x128xf32> to vector<1x128x128xf32>
    %get3A_2 = arith.constant 0 : index
    %get3A_3 = arith.constant 0 : index
    %get3A_4 = arith.constant 0 : index
    %get3A_5 = vector.load %arg1[%get3A_2, %get3A_3, %get3A_4] : memref<100x128x128xf32, #tpu.memory_space<vmem>>, vector<100x128x128xf32>
    %add3A = vector.broadcast %broadcast_in_dim3A : vector<1x128x128xf32> to vector<100x128x128xf32>
    %add3A_6 = arith.addf %add3A, %get3A_5 : vector<100x128x128xf32>
    %swap3A = arith.constant 0 : index
    %swap3A_7 = arith.constant 0 : index
    %swap3A_8 = arith.constant 0 : index
    %swap3A_9 = vector.load %arg2[%swap3A, %swap3A_7, %swap3A_8] : memref<101x128x128xf32, #tpu.memory_space<vmem>>, vector<100x128x128xf32>
    tpu.vector_store %arg2[%swap3A, %swap3A_7, %swap3A_8], %add3A_6 {strides = array<i32>} : memref<101x128x128xf32, #tpu.memory_space<vmem>>, vector<100x128x128xf32>,
    %swap3A_10 = arith.constant 100 : index
    %swap3A_11 = arith.constant 0 : index
    %swap3A_12 = arith.constant 0 : index
    %swap3A_13 = vector.load %arg2[%swap3A_10, %swap3A_11, %swap3A_12] : memref<101x128x128xf32, #tpu.memory_space<vmem>>, vector<1x128x128xf32>
    %swap3A_14 = vector.shape_cast %swap3A_13 : vector<1x128x128xf32> to vector<128x128xf32>
    %swap3A_15 = vector.shape_cast %get3A_1 : vector<128x128xf32> to vector<1x128x128xf32>
    tpu.vector_store %arg2[%swap3A_10, %swap3A_11, %swap3A_12], %swap3A_15 {strides = array<i32>} : memref<101x128x128xf32, #tpu.memory_space<vmem>>, vector<1x128x128xf32>,
    return
  }
}

module attributes {stable_mosaic.version = 14 : i64} {
  func.func @_a_body(%arg0: i32, %arg1: memref<1024xi32, #tpu.memory_space<smem>>, %arg2: memref<101x128x128xf32, #tpu.memory_space<vmem>>, %arg3: memref<32x128x128xf32, #tpu.memory_space<vmem>>, %arg4: memref<101x128x128xf32, #tpu.memory_space<vmem>>) attributes {dimension_semantics = [#tpu.dimension_semantics<arbitrary>], iteration_bounds = array<i64: 33>, scalar_prefetch = 0 : i64, scratch_operands = 1 : i64, tpu.core_type = #tpu.core_type<tc>, window_params = [{transform_indices = @transform_0, window_bounds = array<i64: 1024>}, {pipeline_mode = #tpu.pipeline_mode<synchronous>, transform_indices = @transform_1, window_bounds = array<i64: 101, 128, 128>}, {transform_indices = @transform_2, window_bounds = array<i64: 32, 128, 128>}]} {
    %eq3A = arith.constant 0 : i32
    %eq3A_0 = arith.cmpi eq, %arg0, %eq3A : i32
    %convert_element_type3A = arith.extui %eq3A_0 : i1 to i32
    %cond3A = arith.constant 0 : i32
    %cond3A_1 = arith.cmpi ne, %convert_element_type3A, %cond3A : i32
    scf.if %cond3A_1 {
      %iota3A = tpu.iota {dimensions = array<i32: 0>} : vector<128x128xi32>
      %iota3A_6 = tpu.iota {dimensions = array<i32: 1>} : vector<128x128xi32>
      %eq3A_7 = arith.cmpi eq, %iota3A, %iota3A_6 : vector<128x128xi32>
      %jit3A = arith.constant 0.000000e+00 : f32
      %jit3A_8 = arith.constant 1.000000e+00 : f32
      %broadcast_in_dim3A = vector.broadcast %jit3A : f32 to vector<128x128xf32>
      %broadcast_in_dim3A_9 = vector.broadcast %jit3A_8 : f32 to vector<128x128xf32>
      %select_n3A = arith.select %eq3A_7, %broadcast_in_dim3A, %broadcast_in_dim3A_9 : vector<128x128xi1>, vector<128x128xf32>
      %get3A = arith.constant 0 : index
      %get3A_10 = arith.constant 0 : index
      %get3A_11 = arith.constant 0 : index
      %get3A_12 = vector.load %arg2[%get3A, %get3A_10, %get3A_11] : memref<101x128x128xf32, #tpu.memory_space<vmem>>, vector<101x128x128xf32>
      %mul3A = arith.constant 1.000000e+00 : f32
      %mul3A_13 = vector.broadcast %mul3A : f32 to vector<101x128x128xf32>
      %mul3A_14 = arith.mulf %get3A_12, %mul3A_13 : vector<101x128x128xf32>
      %logistic3A = arith.negf %mul3A_14 : vector<101x128x128xf32>
      %logistic3A_15 = math.exp %logistic3A : vector<101x128x128xf32>
      %logistic3A_16 = arith.constant 1.000000e+00 : f32
      %logistic3A_17 = vector.broadcast %logistic3A_16 : f32 to vector<101x128x128xf32>
      %logistic3A_18 = arith.addf %logistic3A_17, %logistic3A_15 : vector<101x128x128xf32>
      %logistic3A_19 = arith.divf %logistic3A_17, %logistic3A_18 : vector<101x128x128xf32>
      %broadcast_in_dim3A_20 = vector.shape_cast %select_n3A : vector<128x128xf32> to vector<1x128x128xf32>
      %mul3A_21 = vector.broadcast %broadcast_in_dim3A_20 : vector<1x128x128xf32> to vector<101x128x128xf32>
      %mul3A_22 = arith.mulf %logistic3A_19, %mul3A_21 : vector<101x128x128xf32>
      %swap3A = arith.constant 0 : index
      %swap3A_23 = arith.constant 0 : index
      %swap3A_24 = arith.constant 0 : index
      %swap3A_25 = vector.load %arg4[%swap3A, %swap3A_23, %swap3A_24] : memref<101x128x128xf32, #tpu.memory_space<vmem>>, vector<101x128x128xf32>
      tpu.vector_store %arg4[%swap3A, %swap3A_23, %swap3A_24], %mul3A_22 {strides = array<i32>} : memref<101x128x128xf32, #tpu.memory_space<vmem>>, vector<101x128x128xf32>,
    } else {
    }
    %gt3A = arith.constant 0 : i32
    %gt3A_2 = arith.cmpi sgt, %arg0, %gt3A : i32
    %convert_element_type3A_3 = arith.extui %gt3A_2 : i1 to i32
    %cond3A_4 = arith.constant 0 : i32
    %cond3A_5 = arith.cmpi ne, %convert_element_type3A_3, %cond3A_4 : i32
    scf.if %cond3A_5 {
      %sub3A = arith.constant 1 : i32
      %sub3A_6 = arith.subi %arg0, %sub3A : i32
      %mul3A = arith.constant 32 : i32
      %mul3A_7 = arith.muli %sub3A_6, %mul3A : i32
      %add3A = arith.constant 0 : i32
      %add3A_8 = arith.addi %mul3A_7, %add3A : i32
      %get3A = arith.index_cast %add3A_8 : i32 to index
      %get3A_9 = memref.load %arg1[%get3A] : memref<1024xi32, #tpu.memory_space<smem>>
      %jit3A = arith.constant 0 : i32
      %jit3A_10 = arith.constant 100 : i32
      %max3A = arith.maxsi %jit3A, %get3A_9 : i32
      %min3A = arith.minsi %jit3A_10, %max3A : i32
      %get3A_11 = arith.index_cast %min3A : i32 to index
      %get3A_12 = arith.constant 0 : index
      %get3A_13 = arith.constant 0 : index
      %get3A_14 = vector.load %arg4[%get3A_11, %get3A_12, %get3A_13] : memref<101x128x128xf32, #tpu.memory_space<vmem>>, vector<1x128x128xf32>
      %get3A_15 = vector.shape_cast %get3A_14 : vector<1x128x128xf32> to vector<128x128xf32>
      %swap3A = arith.constant 0 : index
      %swap3A_16 = arith.constant 0 : index
      %swap3A_17 = arith.constant 0 : index
      %swap3A_18 = vector.load %arg3[%swap3A, %swap3A_16, %swap3A_17] : memref<32x128x128xf32, #tpu.memory_space<vmem>>, vector<1x128x128xf32>
      %swap3A_19 = vector.shape_cast %swap3A_18 : vector<1x128x128xf32> to vector<128x128xf32>
      %swap3A_20 = vector.shape_cast %get3A_15 : vector<128x128xf32> to vector<1x128x128xf32>
      tpu.vector_store %arg3[%swap3A, %swap3A_16, %swap3A_17], %swap3A_20 {strides = array<i32>} : memref<32x128x128xf32, #tpu.memory_space<vmem>>, vector<1x128x128xf32>,
      %add3A_21 = arith.constant 1 : i32
      %add3A_22 = arith.addi %mul3A_7, %add3A_21 : i32
      %get3A_23 = arith.index_cast %add3A_22 : i32 to index
      %get3A_24 = memref.load %arg1[%get3A_23] : memref<1024xi32, #tpu.memory_space<smem>>
      %jit3A_25 = arith.constant 0 : i32
      %jit3A_26 = arith.constant 100 : i32
      %max3A_27 = arith.maxsi %jit3A_25, %get3A_24 : i32
      %min3A_28 = arith.minsi %jit3A_26, %max3A_27 : i32
      %get3A_29 = arith.index_cast %min3A_28 : i32 to index
      %get3A_30 = arith.constant 0 : index
      %get3A_31 = arith.constant 0 : index
      %get3A_32 = vector.load %arg4[%get3A_29, %get3A_30, %get3A_31] : memref<101x128x128xf32, #tpu.memory_space<vmem>>, vector<1x128x128xf32>
      %get3A_33 = vector.shape_cast %get3A_32 : vector<1x128x128xf32> to vector<128x128xf32>
      %swap3A_34 = arith.constant 1 : index
      %swap3A_35 = arith.constant 0 : index
      %swap3A_36 = arith.constant 0 : index
      %swap3A_37 = vector.load %arg3[%swap3A_34, %swap3A_35, %swap3A_36] : memref<32x128x128xf32, #tpu.memory_space<vmem>>, vector<1x128x128xf32>
      %swap3A_38 = vector.shape_cast %swap3A_37 : vector<1x128x128xf32> to vector<128x128xf32>
      %swap3A_39 = vector.shape_cast %get3A_33 : vector<128x128xf32> to vector<1x128x128xf32>
      tpu.vector_store %arg3[%swap3A_34, %swap3A_35, %swap3A_36], %swap3A_39 {strides = array<i32>} : memref<32x128x128xf32, #tpu.memory_space<vmem>>, vector<1x128x128xf32>,
      %add3A_40 = arith.constant 2 : i32
      %add3A_41 = arith.addi %mul3A_7, %add3A_40 : i32
      %get3A_42 = arith.index_cast %add3A_41 : i32 to index
      %get3A_43 = memref.load %arg1[%get3A_42] : memref<1024xi32, #tpu.memory_space<smem>>
      %jit3A_44 = arith.constant 0 : i32
      %jit3A_45 = arith.constant 100 : i32
      %max3A_46 = arith.maxsi %jit3A_44, %get3A_43 : i32
      %min3A_47 = arith.minsi %jit3A_45, %max3A_46 : i32
      %get3A_48 = arith.index_cast %min3A_47 : i32 to index
      %get3A_49 = arith.constant 0 : index
      %get3A_50 = arith.constant 0 : index
      %get3A_51 = vector.load %arg4[%get3A_48, %get3A_49, %get3A_50] : memref<101x128x128xf32, #tpu.memory_space<vmem>>, vector<1x128x128xf32>
      %get3A_52 = vector.shape_cast %get3A_51 : vector<1x128x128xf32> to vector<128x128xf32>
      %swap3A_53 = arith.constant 2 : index
      %swap3A_54 = arith.constant 0 : index
      %swap3A_55 = arith.constant 0 : index
      %swap3A_56 = vector.load %arg3[%swap3A_53, %swap3A_54, %swap3A_55] : memref<32x128x128xf32, #tpu.memory_space<vmem>>, vector<1x128x128xf32>
      %swap3A_57 = vector.shape_cast %swap3A_56 : vector<1x128x128xf32> to vector<128x128xf32>
      %swap3A_58 = vector.shape_cast %get3A_52 : vector<128x128xf32> to vector<1x128x128xf32>
      tpu.vector_store %arg3[%swap3A_53, %swap3A_54, %swap3A_55], %swap3A_58 {strides = array<i32>} : memref<32x128x128xf32, #tpu.memory_space<vmem>>, vector<1x128x128xf32>,
      %add3A_59 = arith.constant 3 : i32
      %add3A_60 = arith.addi %mul3A_7, %add3A_59 : i32
      %get3A_61 = arith.index_cast %add3A_60 : i32 to index
      %get3A_62 = memref.load %arg1[%get3A_61] : memref<1024xi32, #tpu.memory_space<smem>>
      %jit3A_63 = arith.constant 0 : i32
      %jit3A_64 = arith.constant 100 : i32
      %max3A_65 = arith.maxsi %jit3A_63, %get3A_62 : i32
      %min3A_66 = arith.minsi %jit3A_64, %max3A_65 : i32
      %get3A_67 = arith.index_cast %min3A_66 : i32 to index
      %get3A_68 = arith.constant 0 : index
      %get3A_69 = arith.constant 0 : index
      %get3A_70 = vector.load %arg4[%get3A_67, %get3A_68, %get3A_69] : memref<101x128x128xf32, #tpu.memory_space<vmem>>, vector<1x128x128xf32>
      %get3A_71 = vector.shape_cast %get3A_70 : vector<1x128x128xf32> to vector<128x128xf32>
      %swap3A_72 = arith.constant 3 : index
      %swap3A_73 = arith.constant 0 : index
      %swap3A_74 = arith.constant 0 : index
      %swap3A_75 = vector.load %arg3[%swap3A_72, %swap3A_73, %swap3A_74] : memref<32x128x128xf32, #tpu.memory_space<vmem>>, vector<1x128x128xf32>
      %swap3A_76 = vector.shape_cast %swap3A_75 : vector<1x128x128xf32> to vector<128x128xf32>
      %swap3A_77 = vector.shape_cast %get3A_71 : vector<128x128xf32> to vector<1x128x128xf32>
      tpu.vector_store %arg3[%swap3A_72, %swap3A_73, %swap3A_74], %swap3A_77 {strides = array<i32>} : memref<32x128x128xf32, #tpu.memory_space<vmem>>, vector<1x128x128xf32>,
      %add3A_78 = arith.constant 4 : i32
      %add3A_79 = arith.addi %mul3A_7, %add3A_78 : i32
      %get3A_80 = arith.index_cast %add3A_79 : i32 to index
      %get3A_81 = memref.load %arg1[%get3A_80] : memref<1024xi32, #tpu.memory_space<smem>>
      %jit3A_82 = arith.constant 0 : i32
      %jit3A_83 = arith.constant 100 : i32
      %max3A_84 = arith.maxsi %jit3A_82, %get3A_81 : i32
      %min3A_85 = arith.minsi %jit3A_83, %max3A_84 : i32
      %get3A_86 = arith.index_cast %min3A_85 : i32 to index
      %get3A_87 = arith.constant 0 : index
      %get3A_88 = arith.constant 0 : index
      %get3A_89 = vector.load %arg4[%get3A_86, %get3A_87, %get3A_88] : memref<101x128x128xf32, #tpu.memory_space<vmem>>, vector<1x128x128xf32>
      %get3A_90 = vector.shape_cast %get3A_89 : vector<1x128x128xf32> to vector<128x128xf32>
      %swap3A_91 = arith.constant 4 : index
      %swap3A_92 = arith.constant 0 : index
      %swap3A_93 = arith.constant 0 : index
      %swap3A_94 = vector.load %arg3[%swap3A_91, %swap3A_92, %swap3A_93] : memref<32x128x128xf32, #tpu.memory_space<vmem>>, vector<1x128x128xf32>
      %swap3A_95 = vector.shape_cast %swap3A_94 : vector<1x128x128xf32> to vector<128x128xf32>
      %swap3A_96 = vector.shape_cast %get3A_90 : vector<128x128xf32> to vector<1x128x128xf32>
      tpu.vector_store %arg3[%swap3A_91, %swap3A_92, %swap3A_93], %swap3A_96 {strides = array<i32>} : memref<32x128x128xf32, #tpu.memory_space<vmem>>, vector<1x128x128xf32>,
      %add3A_97 = arith.constant 5 : i32
      %add3A_98 = arith.addi %mul3A_7, %add3A_97 : i32
      %get3A_99 = arith.index_cast %add3A_98 : i32 to index
      %get3A_100 = memref.load %arg1[%get3A_99] : memref<1024xi32, #tpu.memory_space<smem>>
      %jit3A_101 = arith.constant 0 : i32
      %jit3A_102 = arith.constant 100 : i32
      %max3A_103 = arith.maxsi %jit3A_101, %get3A_100 : i32
      %min3A_104 = arith.minsi %jit3A_102, %max3A_103 : i32
      %get3A_105 = arith.index_cast %min3A_104 : i32 to index
      %get3A_106 = arith.constant 0 : index
      %get3A_107 = arith.constant 0 : index
      %get3A_108 = vector.load %arg4[%get3A_105, %get3A_106, %get3A_107] : memref<101x128x128xf32, #tpu.memory_space<vmem>>, vector<1x128x128xf32>
      %get3A_109 = vector.shape_cast %get3A_108 : vector<1x128x128xf32> to vector<128x128xf32>
      %swap3A_110 = arith.constant 5 : index
      %swap3A_111 = arith.constant 0 : index
      %swap3A_112 = arith.constant 0 : index
      %swap3A_113 = vector.load %arg3[%swap3A_110, %swap3A_111, %swap3A_112] : memref<32x128x128xf32, #tpu.memory_space<vmem>>, vector<1x128x128xf32>
      %swap3A_114 = vector.shape_cast %swap3A_113 : vector<1x128x128xf32> to vector<128x128xf32>
      %swap3A_115 = vector.shape_cast %get3A_109 : vector<128x128xf32> to vector<1x128x128xf32>
      tpu.vector_store %arg3[%swap3A_110, %swap3A_111, %swap3A_112], %swap3A_115 {strides = array<i32>} : memref<32x128x128xf32, #tpu.memory_space<vmem>>, vector<1x128x128xf32>,
      %add3A_116 = arith.constant 6 : i32
      %add3A_117 = arith.addi %mul3A_7, %add3A_116 : i32
      %get3A_118 = arith.index_cast %add3A_117 : i32 to index
      %get3A_119 = memref.load %arg1[%get3A_118] : memref<1024xi32, #tpu.memory_space<smem>>
      %jit3A_120 = arith.constant 0 : i32
      %jit3A_121 = arith.constant 100 : i32
      %max3A_122 = arith.maxsi %jit3A_120, %get3A_119 : i32
      %min3A_123 = arith.minsi %jit3A_121, %max3A_122 : i32
      %get3A_124 = arith.index_cast %min3A_123 : i32 to index
      %get3A_125 = arith.constant 0 : index
      %get3A_126 = arith.constant 0 : index
      %get3A_127 = vector.load %arg4[%get3A_124, %get3A_125, %get3A_126] : memref<101x128x128xf32, #tpu.memory_space<vmem>>, vector<1x128x128xf32>
      %get3A_128 = vector.shape_cast %get3A_127 : vector<1x128x128xf32> to vector<128x128xf32>
      %swap3A_129 = arith.constant 6 : index
      %swap3A_130 = arith.constant 0 : index
      %swap3A_131 = arith.constant 0 : index
      %swap3A_132 = vector.load %arg3[%swap3A_129, %swap3A_130, %swap3A_131] : memref<32x128x128xf32, #tpu.memory_space<vmem>>, vector<1x128x128xf32>
      %swap3A_133 = vector.shape_cast %swap3A_132 : vector<1x128x128xf32> to vector<128x128xf32>
      %swap3A_134 = vector.shape_cast %get3A_128 : vector<128x128xf32> to vector<1x128x128xf32>
      tpu.vector_store %arg3[%swap3A_129, %swap3A_130, %swap3A_131], %swap3A_134 {strides = array<i32>} : memref<32x128x128xf32, #tpu.memory_space<vmem>>, vector<1x128x128xf32>,
      %add3A_135 = arith.constant 7 : i32
      %add3A_136 = arith.addi %mul3A_7, %add3A_135 : i32
      %get3A_137 = arith.index_cast %add3A_136 : i32 to index
      %get3A_138 = memref.load %arg1[%get3A_137] : memref<1024xi32, #tpu.memory_space<smem>>
      %jit3A_139 = arith.constant 0 : i32
      %jit3A_140 = arith.constant 100 : i32
      %max3A_141 = arith.maxsi %jit3A_139, %get3A_138 : i32
      %min3A_142 = arith.minsi %jit3A_140, %max3A_141 : i32
      %get3A_143 = arith.index_cast %min3A_142 : i32 to index
      %get3A_144 = arith.constant 0 : index
      %get3A_145 = arith.constant 0 : index
      %get3A_146 = vector.load %arg4[%get3A_143, %get3A_144, %get3A_145] : memref<101x128x128xf32, #tpu.memory_space<vmem>>, vector<1x128x128xf32>
      %get3A_147 = vector.shape_cast %get3A_146 : vector<1x128x128xf32> to vector<128x128xf32>
      %swap3A_148 = arith.constant 7 : index
      %swap3A_149 = arith.constant 0 : index
      %swap3A_150 = arith.constant 0 : index
      %swap3A_151 = vector.load %arg3[%swap3A_148, %swap3A_149, %swap3A_150] : memref<32x128x128xf32, #tpu.memory_space<vmem>>, vector<1x128x128xf32>
      %swap3A_152 = vector.shape_cast %swap3A_151 : vector<1x128x128xf32> to vector<128x128xf32>
      %swap3A_153 = vector.shape_cast %get3A_147 : vector<128x128xf32> to vector<1x128x128xf32>
      tpu.vector_store %arg3[%swap3A_148, %swap3A_149, %swap3A_150], %swap3A_153 {strides = array<i32>} : memref<32x128x128xf32, #tpu.memory_space<vmem>>, vector<1x128x128xf32>,
      %add3A_154 = arith.constant 8 : i32
      %add3A_155 = arith.addi %mul3A_7, %add3A_154 : i32
      %get3A_156 = arith.index_cast %add3A_155 : i32 to index
      %get3A_157 = memref.load %arg1[%get3A_156] : memref<1024xi32, #tpu.memory_space<smem>>
      %jit3A_158 = arith.constant 0 : i32
      %jit3A_159 = arith.constant 100 : i32
      %max3A_160 = arith.maxsi %jit3A_158, %get3A_157 : i32
      %min3A_161 = arith.minsi %jit3A_159, %max3A_160 : i32
      %get3A_162 = arith.index_cast %min3A_161 : i32 to index
      %get3A_163 = arith.constant 0 : index
      %get3A_164 = arith.constant 0 : index
      %get3A_165 = vector.load %arg4[%get3A_162, %get3A_163, %get3A_164] : memref<101x128x128xf32, #tpu.memory_space<vmem>>, vector<1x128x128xf32>
      %get3A_166 = vector.shape_cast %get3A_165 : vector<1x128x128xf32> to vector<128x128xf32>
      %swap3A_167 = arith.constant 8 : index
      %swap3A_168 = arith.constant 0 : index
      %swap3A_169 = arith.constant 0 : index
      %swap3A_170 = vector.load %arg3[%swap3A_167, %swap3A_168, %swap3A_169] : memref<32x128x128xf32, #tpu.memory_space<vmem>>, vector<1x128x128xf32>
      %swap3A_171 = vector.shape_cast %swap3A_170 : vector<1x128x128xf32> to vector<128x128xf32>
      %swap3A_172 = vector.shape_cast %get3A_166 : vector<128x128xf32> to vector<1x128x128xf32>
      tpu.vector_store %arg3[%swap3A_167, %swap3A_168, %swap3A_169], %swap3A_172 {strides = array<i32>} : memref<32x128x128xf32, #tpu.memory_space<vmem>>, vector<1x128x128xf32>,
      %add3A_173 = arith.constant 9 : i32
      %add3A_174 = arith.addi %mul3A_7, %add3A_173 : i32
      %get3A_175 = arith.index_cast %add3A_174 : i32 to index
      %get3A_176 = memref.load %arg1[%get3A_175] : memref<1024xi32, #tpu.memory_space<smem>>
      %jit3A_177 = arith.constant 0 : i32
      %jit3A_178 = arith.constant 100 : i32
      %max3A_179 = arith.maxsi %jit3A_177, %get3A_176 : i32
      %min3A_180 = arith.minsi %jit3A_178, %max3A_179 : i32
      %get3A_181 = arith.index_cast %min3A_180 : i32 to index
      %get3A_182 = arith.constant 0 : index
      %get3A_183 = arith.constant 0 : index
      %get3A_184 = vector.load %arg4[%get3A_181, %get3A_182, %get3A_183] : memref<101x128x128xf32, #tpu.memory_space<vmem>>, vector<1x128x128xf32>
      %get3A_185 = vector.shape_cast %get3A_184 : vector<1x128x128xf32> to vector<128x128xf32>
      %swap3A_186 = arith.constant 9 : index
      %swap3A_187 = arith.constant 0 : index
      %swap3A_188 = arith.constant 0 : index
      %swap3A_189 = vector.load %arg3[%swap3A_186, %swap3A_187, %swap3A_188] : memref<32x128x128xf32, #tpu.memory_space<vmem>>, vector<1x128x128xf32>
      %swap3A_190 = vector.shape_cast %swap3A_189 : vector<1x128x128xf32> to vector<128x128xf32>
      %swap3A_191 = vector.shape_cast %get3A_185 : vector<128x128xf32> to vector<1x128x128xf32>
      tpu.vector_store %arg3[%swap3A_186, %swap3A_187, %swap3A_188], %swap3A_191 {strides = array<i32>} : memref<32x128x128xf32, #tpu.memory_space<vmem>>, vector<1x128x128xf32>,
      %add3A_192 = arith.constant 10 : i32
      %add3A_193 = arith.addi %mul3A_7, %add3A_192 : i32
      %get3A_194 = arith.index_cast %add3A_193 : i32 to index
      %get3A_195 = memref.load %arg1[%get3A_194] : memref<1024xi32, #tpu.memory_space<smem>>
      %jit3A_196 = arith.constant 0 : i32
      %jit3A_197 = arith.constant 100 : i32
      %max3A_198 = arith.maxsi %jit3A_196, %get3A_195 : i32
      %min3A_199 = arith.minsi %jit3A_197, %max3A_198 : i32
      %get3A_200 = arith.index_cast %min3A_199 : i32 to index
      %get3A_201 = arith.constant 0 : index
      %get3A_202 = arith.constant 0 : index
      %get3A_203 = vector.load %arg4[%get3A_200, %get3A_201, %get3A_202] : memref<101x128x128xf32, #tpu.memory_space<vmem>>, vector<1x128x128xf32>
      %get3A_204 = vector.shape_cast %get3A_203 : vector<1x128x128xf32> to vector<128x128xf32>
      %swap3A_205 = arith.constant 10 : index
      %swap3A_206 = arith.constant 0 : index
      %swap3A_207 = arith.constant 0 : index
      %swap3A_208 = vector.load %arg3[%swap3A_205, %swap3A_206, %swap3A_207] : memref<32x128x128xf32, #tpu.memory_space<vmem>>, vector<1x128x128xf32>
      %swap3A_209 = vector.shape_cast %swap3A_208 : vector<1x128x128xf32> to vector<128x128xf32>
      %swap3A_210 = vector.shape_cast %get3A_204 : vector<128x128xf32> to vector<1x128x128xf32>
      tpu.vector_store %arg3[%swap3A_205, %swap3A_206, %swap3A_207], %swap3A_210 {strides = array<i32>} : memref<32x128x128xf32, #tpu.memory_space<vmem>>, vector<1x128x128xf32>,
      %add3A_211 = arith.constant 11 : i32
      %add3A_212 = arith.addi %mul3A_7, %add3A_211 : i32
      %get3A_213 = arith.index_cast %add3A_212 : i32 to index
      %get3A_214 = memref.load %arg1[%get3A_213] : memref<1024xi32, #tpu.memory_space<smem>>
      %jit3A_215 = arith.constant 0 : i32
      %jit3A_216 = arith.constant 100 : i32
      %max3A_217 = arith.maxsi %jit3A_215, %get3A_214 : i32
      %min3A_218 = arith.minsi %jit3A_216, %max3A_217 : i32
      %get3A_219 = arith.index_cast %min3A_218 : i32 to index
      %get3A_220 = arith.constant 0 : index
      %get3A_221 = arith.constant 0 : index
      %get3A_222 = vector.load %arg4[%get3A_219, %get3A_220, %get3A_221] : memref<101x128x128xf32, #tpu.memory_space<vmem>>, vector<1x128x128xf32>
      %get3A_223 = vector.shape_cast %get3A_222 : vector<1x128x128xf32> to vector<128x128xf32>
      %swap3A_224 = arith.constant 11 : index
      %swap3A_225 = arith.constant 0 : index
      %swap3A_226 = arith.constant 0 : index
      %swap3A_227 = vector.load %arg3[%swap3A_224, %swap3A_225, %swap3A_226] : memref<32x128x128xf32, #tpu.memory_space<vmem>>, vector<1x128x128xf32>
      %swap3A_228 = vector.shape_cast %swap3A_227 : vector<1x128x128xf32> to vector<128x128xf32>
      %swap3A_229 = vector.shape_cast %get3A_223 : vector<128x128xf32> to vector<1x128x128xf32>
      tpu.vector_store %arg3[%swap3A_224, %swap3A_225, %swap3A_226], %swap3A_229 {strides = array<i32>} : memref<32x128x128xf32, #tpu.memory_space<vmem>>, vector<1x128x128xf32>,
      %add3A_230 = arith.constant 12 : i32
      %add3A_231 = arith.addi %mul3A_7, %add3A_230 : i32
      %get3A_232 = arith.index_cast %add3A_231 : i32 to index
      %get3A_233 = memref.load %arg1[%get3A_232] : memref<1024xi32, #tpu.memory_space<smem>>
      %jit3A_234 = arith.constant 0 : i32
      %jit3A_235 = arith.constant 100 : i32
      %max3A_236 = arith.maxsi %jit3A_234, %get3A_233 : i32
      %min3A_237 = arith.minsi %jit3A_235, %max3A_236 : i32
      %get3A_238 = arith.index_cast %min3A_237 : i32 to index
      %get3A_239 = arith.constant 0 : index
      %get3A_240 = arith.constant 0 : index
      %get3A_241 = vector.load %arg4[%get3A_238, %get3A_239, %get3A_240] : memref<101x128x128xf32, #tpu.memory_space<vmem>>, vector<1x128x128xf32>
      %get3A_242 = vector.shape_cast %get3A_241 : vector<1x128x128xf32> to vector<128x128xf32>
      %swap3A_243 = arith.constant 12 : index
      %swap3A_244 = arith.constant 0 : index
      %swap3A_245 = arith.constant 0 : index
      %swap3A_246 = vector.load %arg3[%swap3A_243, %swap3A_244, %swap3A_245] : memref<32x128x128xf32, #tpu.memory_space<vmem>>, vector<1x128x128xf32>
      %swap3A_247 = vector.shape_cast %swap3A_246 : vector<1x128x128xf32> to vector<128x128xf32>
      %swap3A_248 = vector.shape_cast %get3A_242 : vector<128x128xf32> to vector<1x128x128xf32>
      tpu.vector_store %arg3[%swap3A_243, %swap3A_244, %swap3A_245], %swap3A_248 {strides = array<i32>} : memref<32x128x128xf32, #tpu.memory_space<vmem>>, vector<1x128x128xf32>,
      %add3A_249 = arith.constant 13 : i32
      %add3A_250 = arith.addi %mul3A_7, %add3A_249 : i32
      %get3A_251 = arith.index_cast %add3A_250 : i32 to index
      %get3A_252 = memref.load %arg1[%get3A_251] : memref<1024xi32, #tpu.memory_space<smem>>
      %jit3A_253 = arith.constant 0 : i32
      %jit3A_254 = arith.constant 100 : i32
      %max3A_255 = arith.maxsi %jit3A_253, %get3A_252 : i32
      %min3A_256 = arith.minsi %jit3A_254, %max3A_255 : i32
      %get3A_257 = arith.index_cast %min3A_256 : i32 to index
      %get3A_258 = arith.constant 0 : index
      %get3A_259 = arith.constant 0 : index
      %get3A_260 = vector.load %arg4[%get3A_257, %get3A_258, %get3A_259] : memref<101x128x128xf32, #tpu.memory_space<vmem>>, vector<1x128x128xf32>
      %get3A_261 = vector.shape_cast %get3A_260 : vector<1x128x128xf32> to vector<128x128xf32>
      %swap3A_262 = arith.constant 13 : index
      %swap3A_263 = arith.constant 0 : index
      %swap3A_264 = arith.constant 0 : index
      %swap3A_265 = vector.load %arg3[%swap3A_262, %swap3A_263, %swap3A_264] : memref<32x128x128xf32, #tpu.memory_space<vmem>>, vector<1x128x128xf32>
      %swap3A_266 = vector.shape_cast %swap3A_265 : vector<1x128x128xf32> to vector<128x128xf32>
      %swap3A_267 = vector.shape_cast %get3A_261 : vector<128x128xf32> to vector<1x128x128xf32>
      tpu.vector_store %arg3[%swap3A_262, %swap3A_263, %swap3A_264], %swap3A_267 {strides = array<i32>} : memref<32x128x128xf32, #tpu.memory_space<vmem>>, vector<1x128x128xf32>,
      %add3A_268 = arith.constant 14 : i32
      %add3A_269 = arith.addi %mul3A_7, %add3A_268 : i32
      %get3A_270 = arith.index_cast %add3A_269 : i32 to index
      %get3A_271 = memref.load %arg1[%get3A_270] : memref<1024xi32, #tpu.memory_space<smem>>
      %jit3A_272 = arith.constant 0 : i32
      %jit3A_273 = arith.constant 100 : i32
      %max3A_274 = arith.maxsi %jit3A_272, %get3A_271 : i32
      %min3A_275 = arith.minsi %jit3A_273, %max3A_274 : i32
      %get3A_276 = arith.index_cast %min3A_275 : i32 to index
      %get3A_277 = arith.constant 0 : index
      %get3A_278 = arith.constant 0 : index
      %get3A_279 = vector.load %arg4[%get3A_276, %get3A_277, %get3A_278] : memref<101x128x128xf32, #tpu.memory_space<vmem>>, vector<1x128x128xf32>
      %get3A_280 = vector.shape_cast %get3A_279 : vector<1x128x128xf32> to vector<128x128xf32>
      %swap3A_281 = arith.constant 14 : index
      %swap3A_282 = arith.constant 0 : index
      %swap3A_283 = arith.constant 0 : index
      %swap3A_284 = vector.load %arg3[%swap3A_281, %swap3A_282, %swap3A_283] : memref<32x128x128xf32, #tpu.memory_space<vmem>>, vector<1x128x128xf32>
      %swap3A_285 = vector.shape_cast %swap3A_284 : vector<1x128x128xf32> to vector<128x128xf32>
      %swap3A_286 = vector.shape_cast %get3A_280 : vector<128x128xf32> to vector<1x128x128xf32>
      tpu.vector_store %arg3[%swap3A_281, %swap3A_282, %swap3A_283], %swap3A_286 {strides = array<i32>} : memref<32x128x128xf32, #tpu.memory_space<vmem>>, vector<1x128x128xf32>,
      %add3A_287 = arith.constant 15 : i32
      %add3A_288 = arith.addi %mul3A_7, %add3A_287 : i32
      %get3A_289 = arith.index_cast %add3A_288 : i32 to index
      %get3A_290 = memref.load %arg1[%get3A_289] : memref<1024xi32, #tpu.memory_space<smem>>
      %jit3A_291 = arith.constant 0 : i32
      %jit3A_292 = arith.constant 100 : i32
      %max3A_293 = arith.maxsi %jit3A_291, %get3A_290 : i32
      %min3A_294 = arith.minsi %jit3A_292, %max3A_293 : i32
      %get3A_295 = arith.index_cast %min3A_294 : i32 to index
      %get3A_296 = arith.constant 0 : index
      %get3A_297 = arith.constant 0 : index
      %get3A_298 = vector.load %arg4[%get3A_295, %get3A_296, %get3A_297] : memref<101x128x128xf32, #tpu.memory_space<vmem>>, vector<1x128x128xf32>
      %get3A_299 = vector.shape_cast %get3A_298 : vector<1x128x128xf32> to vector<128x128xf32>
      %swap3A_300 = arith.constant 15 : index
      %swap3A_301 = arith.constant 0 : index
      %swap3A_302 = arith.constant 0 : index
      %swap3A_303 = vector.load %arg3[%swap3A_300, %swap3A_301, %swap3A_302] : memref<32x128x128xf32, #tpu.memory_space<vmem>>, vector<1x128x128xf32>
      %swap3A_304 = vector.shape_cast %swap3A_303 : vector<1x128x128xf32> to vector<128x128xf32>
      %swap3A_305 = vector.shape_cast %get3A_299 : vector<128x128xf32> to vector<1x128x128xf32>
      tpu.vector_store %arg3[%swap3A_300, %swap3A_301, %swap3A_302], %swap3A_305 {strides = array<i32>} : memref<32x128x128xf32, #tpu.memory_space<vmem>>, vector<1x128x128xf32>,
      %add3A_306 = arith.constant 16 : i32
      %add3A_307 = arith.addi %mul3A_7, %add3A_306 : i32
      %get3A_308 = arith.index_cast %add3A_307 : i32 to index
      %get3A_309 = memref.load %arg1[%get3A_308] : memref<1024xi32, #tpu.memory_space<smem>>
      %jit3A_310 = arith.constant 0 : i32
      %jit3A_311 = arith.constant 100 : i32
      %max3A_312 = arith.maxsi %jit3A_310, %get3A_309 : i32
      %min3A_313 = arith.minsi %jit3A_311, %max3A_312 : i32
      %get3A_314 = arith.index_cast %min3A_313 : i32 to index
      %get3A_315 = arith.constant 0 : index
      %get3A_316 = arith.constant 0 : index
      %get3A_317 = vector.load %arg4[%get3A_314, %get3A_315, %get3A_316] : memref<101x128x128xf32, #tpu.memory_space<vmem>>, vector<1x128x128xf32>
      %get3A_318 = vector.shape_cast %get3A_317 : vector<1x128x128xf32> to vector<128x128xf32>
      %swap3A_319 = arith.constant 16 : index
      %swap3A_320 = arith.constant 0 : index
      %swap3A_321 = arith.constant 0 : index
      %swap3A_322 = vector.load %arg3[%swap3A_319, %swap3A_320, %swap3A_321] : memref<32x128x128xf32, #tpu.memory_space<vmem>>, vector<1x128x128xf32>
      %swap3A_323 = vector.shape_cast %swap3A_322 : vector<1x128x128xf32> to vector<128x128xf32>
      %swap3A_324 = vector.shape_cast %get3A_318 : vector<128x128xf32> to vector<1x128x128xf32>
      tpu.vector_store %arg3[%swap3A_319, %swap3A_320, %swap3A_321], %swap3A_324 {strides = array<i32>} : memref<32x128x128xf32, #tpu.memory_space<vmem>>, vector<1x128x128xf32>,
      %add3A_325 = arith.constant 17 : i32
      %add3A_326 = arith.addi %mul3A_7, %add3A_325 : i32
      %get3A_327 = arith.index_cast %add3A_326 : i32 to index
      %get3A_328 = memref.load %arg1[%get3A_327] : memref<1024xi32, #tpu.memory_space<smem>>
      %jit3A_329 = arith.constant 0 : i32
      %jit3A_330 = arith.constant 100 : i32
      %max3A_331 = arith.maxsi %jit3A_329, %get3A_328 : i32
      %min3A_332 = arith.minsi %jit3A_330, %max3A_331 : i32
      %get3A_333 = arith.index_cast %min3A_332 : i32 to index
      %get3A_334 = arith.constant 0 : index
      %get3A_335 = arith.constant 0 : index
      %get3A_336 = vector.load %arg4[%get3A_333, %get3A_334, %get3A_335] : memref<101x128x128xf32, #tpu.memory_space<vmem>>, vector<1x128x128xf32>
      %get3A_337 = vector.shape_cast %get3A_336 : vector<1x128x128xf32> to vector<128x128xf32>
      %swap3A_338 = arith.constant 17 : index
      %swap3A_339 = arith.constant 0 : index
      %swap3A_340 = arith.constant 0 : index
      %swap3A_341 = vector.load %arg3[%swap3A_338, %swap3A_339, %swap3A_340] : memref<32x128x128xf32, #tpu.memory_space<vmem>>, vector<1x128x128xf32>
      %swap3A_342 = vector.shape_cast %swap3A_341 : vector<1x128x128xf32> to vector<128x128xf32>
      %swap3A_343 = vector.shape_cast %get3A_337 : vector<128x128xf32> to vector<1x128x128xf32>
      tpu.vector_store %arg3[%swap3A_338, %swap3A_339, %swap3A_340], %swap3A_343 {strides = array<i32>} : memref<32x128x128xf32, #tpu.memory_space<vmem>>, vector<1x128x128xf32>,
      %add3A_344 = arith.constant 18 : i32
      %add3A_345 = arith.addi %mul3A_7, %add3A_344 : i32
      %get3A_346 = arith.index_cast %add3A_345 : i32 to index
      %get3A_347 = memref.load %arg1[%get3A_346] : memref<1024xi32, #tpu.memory_space<smem>>
      %jit3A_348 = arith.constant 0 : i32
      %jit3A_349 = arith.constant 100 : i32
      %max3A_350 = arith.maxsi %jit3A_348, %get3A_347 : i32
      %min3A_351 = arith.minsi %jit3A_349, %max3A_350 : i32
      %get3A_352 = arith.index_cast %min3A_351 : i32 to index
      %get3A_353 = arith.constant 0 : index
      %get3A_354 = arith.constant 0 : index
      %get3A_355 = vector.load %arg4[%get3A_352, %get3A_353, %get3A_354] : memref<101x128x128xf32, #tpu.memory_space<vmem>>, vector<1x128x128xf32>
      %get3A_356 = vector.shape_cast %get3A_355 : vector<1x128x128xf32> to vector<128x128xf32>
      %swap3A_357 = arith.constant 18 : index
      %swap3A_358 = arith.constant 0 : index
      %swap3A_359 = arith.constant 0 : index
      %swap3A_360 = vector.load %arg3[%swap3A_357, %swap3A_358, %swap3A_359] : memref<32x128x128xf32, #tpu.memory_space<vmem>>, vector<1x128x128xf32>
      %swap3A_361 = vector.shape_cast %swap3A_360 : vector<1x128x128xf32> to vector<128x128xf32>
      %swap3A_362 = vector.shape_cast %get3A_356 : vector<128x128xf32> to vector<1x128x128xf32>
      tpu.vector_store %arg3[%swap3A_357, %swap3A_358, %swap3A_359], %swap3A_362 {strides = array<i32>} : memref<32x128x128xf32, #tpu.memory_space<vmem>>, vector<1x128x128xf32>,
      %add3A_363 = arith.constant 19 : i32
      %add3A_364 = arith.addi %mul3A_7, %add3A_363 : i32
      %get3A_365 = arith.index_cast %add3A_364 : i32 to index
      %get3A_366 = memref.load %arg1[%get3A_365] : memref<1024xi32, #tpu.memory_space<smem>>
      %jit3A_367 = arith.constant 0 : i32
      %jit3A_368 = arith.constant 100 : i32
      %max3A_369 = arith.maxsi %jit3A_367, %get3A_366 : i32
      %min3A_370 = arith.minsi %jit3A_368, %max3A_369 : i32
      %get3A_371 = arith.index_cast %min3A_370 : i32 to index
      %get3A_372 = arith.constant 0 : index
      %get3A_373 = arith.constant 0 : index
      %get3A_374 = vector.load %arg4[%get3A_371, %get3A_372, %get3A_373] : memref<101x128x128xf32, #tpu.memory_space<vmem>>, vector<1x128x128xf32>
      %get3A_375 = vector.shape_cast %get3A_374 : vector<1x128x128xf32> to vector<128x128xf32>
      %swap3A_376 = arith.constant 19 : index
      %swap3A_377 = arith.constant 0 : index
      %swap3A_378 = arith.constant 0 : index
      %swap3A_379 = vector.load %arg3[%swap3A_376, %swap3A_377, %swap3A_378] : memref<32x128x128xf32, #tpu.memory_space<vmem>>, vector<1x128x128xf32>
      %swap3A_380 = vector.shape_cast %swap3A_379 : vector<1x128x128xf32> to vector<128x128xf32>
      %swap3A_381 = vector.shape_cast %get3A_375 : vector<128x128xf32> to vector<1x128x128xf32>
      tpu.vector_store %arg3[%swap3A_376, %swap3A_377, %swap3A_378], %swap3A_381 {strides = array<i32>} : memref<32x128x128xf32, #tpu.memory_space<vmem>>, vector<1x128x128xf32>,
      %add3A_382 = arith.constant 20 : i32
      %add3A_383 = arith.addi %mul3A_7, %add3A_382 : i32
      %get3A_384 = arith.index_cast %add3A_383 : i32 to index
      %get3A_385 = memref.load %arg1[%get3A_384] : memref<1024xi32, #tpu.memory_space<smem>>
      %jit3A_386 = arith.constant 0 : i32
      %jit3A_387 = arith.constant 100 : i32
      %max3A_388 = arith.maxsi %jit3A_386, %get3A_385 : i32
      %min3A_389 = arith.minsi %jit3A_387, %max3A_388 : i32
      %get3A_390 = arith.index_cast %min3A_389 : i32 to index
      %get3A_391 = arith.constant 0 : index
      %get3A_392 = arith.constant 0 : index
      %get3A_393 = vector.load %arg4[%get3A_390, %get3A_391, %get3A_392] : memref<101x128x128xf32, #tpu.memory_space<vmem>>, vector<1x128x128xf32>
      %get3A_394 = vector.shape_cast %get3A_393 : vector<1x128x128xf32> to vector<128x128xf32>
      %swap3A_395 = arith.constant 20 : index
      %swap3A_396 = arith.constant 0 : index
      %swap3A_397 = arith.constant 0 : index
      %swap3A_398 = vector.load %arg3[%swap3A_395, %swap3A_396, %swap3A_397] : memref<32x128x128xf32, #tpu.memory_space<vmem>>, vector<1x128x128xf32>
      %swap3A_399 = vector.shape_cast %swap3A_398 : vector<1x128x128xf32> to vector<128x128xf32>
      %swap3A_400 = vector.shape_cast %get3A_394 : vector<128x128xf32> to vector<1x128x128xf32>
      tpu.vector_store %arg3[%swap3A_395, %swap3A_396, %swap3A_397], %swap3A_400 {strides = array<i32>} : memref<32x128x128xf32, #tpu.memory_space<vmem>>, vector<1x128x128xf32>,
      %add3A_401 = arith.constant 21 : i32
      %add3A_402 = arith.addi %mul3A_7, %add3A_401 : i32
      %get3A_403 = arith.index_cast %add3A_402 : i32 to index
      %get3A_404 = memref.load %arg1[%get3A_403] : memref<1024xi32, #tpu.memory_space<smem>>
      %jit3A_405 = arith.constant 0 : i32
      %jit3A_406 = arith.constant 100 : i32
      %max3A_407 = arith.maxsi %jit3A_405, %get3A_404 : i32
      %min3A_408 = arith.minsi %jit3A_406, %max3A_407 : i32
      %get3A_409 = arith.index_cast %min3A_408 : i32 to index
      %get3A_410 = arith.constant 0 : index
      %get3A_411 = arith.constant 0 : index
      %get3A_412 = vector.load %arg4[%get3A_409, %get3A_410, %get3A_411] : memref<101x128x128xf32, #tpu.memory_space<vmem>>, vector<1x128x128xf32>
      %get3A_413 = vector.shape_cast %get3A_412 : vector<1x128x128xf32> to vector<128x128xf32>
      %swap3A_414 = arith.constant 21 : index
      %swap3A_415 = arith.constant 0 : index
      %swap3A_416 = arith.constant 0 : index
      %swap3A_417 = vector.load %arg3[%swap3A_414, %swap3A_415, %swap3A_416] : memref<32x128x128xf32, #tpu.memory_space<vmem>>, vector<1x128x128xf32>
      %swap3A_418 = vector.shape_cast %swap3A_417 : vector<1x128x128xf32> to vector<128x128xf32>
      %swap3A_419 = vector.shape_cast %get3A_413 : vector<128x128xf32> to vector<1x128x128xf32>
      tpu.vector_store %arg3[%swap3A_414, %swap3A_415, %swap3A_416], %swap3A_419 {strides = array<i32>} : memref<32x128x128xf32, #tpu.memory_space<vmem>>, vector<1x128x128xf32>,
      %add3A_420 = arith.constant 22 : i32
      %add3A_421 = arith.addi %mul3A_7, %add3A_420 : i32
      %get3A_422 = arith.index_cast %add3A_421 : i32 to index
      %get3A_423 = memref.load %arg1[%get3A_422] : memref<1024xi32, #tpu.memory_space<smem>>
      %jit3A_424 = arith.constant 0 : i32
      %jit3A_425 = arith.constant 100 : i32
      %max3A_426 = arith.maxsi %jit3A_424, %get3A_423 : i32
      %min3A_427 = arith.minsi %jit3A_425, %max3A_426 : i32
      %get3A_428 = arith.index_cast %min3A_427 : i32 to index
      %get3A_429 = arith.constant 0 : index
      %get3A_430 = arith.constant 0 : index
      %get3A_431 = vector.load %arg4[%get3A_428, %get3A_429, %get3A_430] : memref<101x128x128xf32, #tpu.memory_space<vmem>>, vector<1x128x128xf32>
      %get3A_432 = vector.shape_cast %get3A_431 : vector<1x128x128xf32> to vector<128x128xf32>
      %swap3A_433 = arith.constant 22 : index
      %swap3A_434 = arith.constant 0 : index
      %swap3A_435 = arith.constant 0 : index
      %swap3A_436 = vector.load %arg3[%swap3A_433, %swap3A_434, %swap3A_435] : memref<32x128x128xf32, #tpu.memory_space<vmem>>, vector<1x128x128xf32>
      %swap3A_437 = vector.shape_cast %swap3A_436 : vector<1x128x128xf32> to vector<128x128xf32>
      %swap3A_438 = vector.shape_cast %get3A_432 : vector<128x128xf32> to vector<1x128x128xf32>
      tpu.vector_store %arg3[%swap3A_433, %swap3A_434, %swap3A_435], %swap3A_438 {strides = array<i32>} : memref<32x128x128xf32, #tpu.memory_space<vmem>>, vector<1x128x128xf32>,
      %add3A_439 = arith.constant 23 : i32
      %add3A_440 = arith.addi %mul3A_7, %add3A_439 : i32
      %get3A_441 = arith.index_cast %add3A_440 : i32 to index
      %get3A_442 = memref.load %arg1[%get3A_441] : memref<1024xi32, #tpu.memory_space<smem>>
      %jit3A_443 = arith.constant 0 : i32
      %jit3A_444 = arith.constant 100 : i32
      %max3A_445 = arith.maxsi %jit3A_443, %get3A_442 : i32
      %min3A_446 = arith.minsi %jit3A_444, %max3A_445 : i32
      %get3A_447 = arith.index_cast %min3A_446 : i32 to index
      %get3A_448 = arith.constant 0 : index
      %get3A_449 = arith.constant 0 : index
      %get3A_450 = vector.load %arg4[%get3A_447, %get3A_448, %get3A_449] : memref<101x128x128xf32, #tpu.memory_space<vmem>>, vector<1x128x128xf32>
      %get3A_451 = vector.shape_cast %get3A_450 : vector<1x128x128xf32> to vector<128x128xf32>
      %swap3A_452 = arith.constant 23 : index
      %swap3A_453 = arith.constant 0 : index
      %swap3A_454 = arith.constant 0 : index
      %swap3A_455 = vector.load %arg3[%swap3A_452, %swap3A_453, %swap3A_454] : memref<32x128x128xf32, #tpu.memory_space<vmem>>, vector<1x128x128xf32>
      %swap3A_456 = vector.shape_cast %swap3A_455 : vector<1x128x128xf32> to vector<128x128xf32>
      %swap3A_457 = vector.shape_cast %get3A_451 : vector<128x128xf32> to vector<1x128x128xf32>
      tpu.vector_store %arg3[%swap3A_452, %swap3A_453, %swap3A_454], %swap3A_457 {strides = array<i32>} : memref<32x128x128xf32, #tpu.memory_space<vmem>>, vector<1x128x128xf32>,
      %add3A_458 = arith.constant 24 : i32
      %add3A_459 = arith.addi %mul3A_7, %add3A_458 : i32
      %get3A_460 = arith.index_cast %add3A_459 : i32 to index
      %get3A_461 = memref.load %arg1[%get3A_460] : memref<1024xi32, #tpu.memory_space<smem>>
      %jit3A_462 = arith.constant 0 : i32
      %jit3A_463 = arith.constant 100 : i32
      %max3A_464 = arith.maxsi %jit3A_462, %get3A_461 : i32
      %min3A_465 = arith.minsi %jit3A_463, %max3A_464 : i32
      %get3A_466 = arith.index_cast %min3A_465 : i32 to index
      %get3A_467 = arith.constant 0 : index
      %get3A_468 = arith.constant 0 : index
      %get3A_469 = vector.load %arg4[%get3A_466, %get3A_467, %get3A_468] : memref<101x128x128xf32, #tpu.memory_space<vmem>>, vector<1x128x128xf32>
      %get3A_470 = vector.shape_cast %get3A_469 : vector<1x128x128xf32> to vector<128x128xf32>
      %swap3A_471 = arith.constant 24 : index
      %swap3A_472 = arith.constant 0 : index
      %swap3A_473 = arith.constant 0 : index
      %swap3A_474 = vector.load %arg3[%swap3A_471, %swap3A_472, %swap3A_473] : memref<32x128x128xf32, #tpu.memory_space<vmem>>, vector<1x128x128xf32>
      %swap3A_475 = vector.shape_cast %swap3A_474 : vector<1x128x128xf32> to vector<128x128xf32>
      %swap3A_476 = vector.shape_cast %get3A_470 : vector<128x128xf32> to vector<1x128x128xf32>
      tpu.vector_store %arg3[%swap3A_471, %swap3A_472, %swap3A_473], %swap3A_476 {strides = array<i32>} : memref<32x128x128xf32, #tpu.memory_space<vmem>>, vector<1x128x128xf32>,
      %add3A_477 = arith.constant 25 : i32
      %add3A_478 = arith.addi %mul3A_7, %add3A_477 : i32
      %get3A_479 = arith.index_cast %add3A_478 : i32 to index
      %get3A_480 = memref.load %arg1[%get3A_479] : memref<1024xi32, #tpu.memory_space<smem>>
      %jit3A_481 = arith.constant 0 : i32
      %jit3A_482 = arith.constant 100 : i32
      %max3A_483 = arith.maxsi %jit3A_481, %get3A_480 : i32
      %min3A_484 = arith.minsi %jit3A_482, %max3A_483 : i32
      %get3A_485 = arith.index_cast %min3A_484 : i32 to index
      %get3A_486 = arith.constant 0 : index
      %get3A_487 = arith.constant 0 : index
      %get3A_488 = vector.load %arg4[%get3A_485, %get3A_486, %get3A_487] : memref<101x128x128xf32, #tpu.memory_space<vmem>>, vector<1x128x128xf32>
      %get3A_489 = vector.shape_cast %get3A_488 : vector<1x128x128xf32> to vector<128x128xf32>
      %swap3A_490 = arith.constant 25 : index
      %swap3A_491 = arith.constant 0 : index
      %swap3A_492 = arith.constant 0 : index
      %swap3A_493 = vector.load %arg3[%swap3A_490, %swap3A_491, %swap3A_492] : memref<32x128x128xf32, #tpu.memory_space<vmem>>, vector<1x128x128xf32>
      %swap3A_494 = vector.shape_cast %swap3A_493 : vector<1x128x128xf32> to vector<128x128xf32>
      %swap3A_495 = vector.shape_cast %get3A_489 : vector<128x128xf32> to vector<1x128x128xf32>
      tpu.vector_store %arg3[%swap3A_490, %swap3A_491, %swap3A_492], %swap3A_495 {strides = array<i32>} : memref<32x128x128xf32, #tpu.memory_space<vmem>>, vector<1x128x128xf32>,
      %add3A_496 = arith.constant 26 : i32
      %add3A_497 = arith.addi %mul3A_7, %add3A_496 : i32
      %get3A_498 = arith.index_cast %add3A_497 : i32 to index
      %get3A_499 = memref.load %arg1[%get3A_498] : memref<1024xi32, #tpu.memory_space<smem>>
      %jit3A_500 = arith.constant 0 : i32
      %jit3A_501 = arith.constant 100 : i32
      %max3A_502 = arith.maxsi %jit3A_500, %get3A_499 : i32
      %min3A_503 = arith.minsi %jit3A_501, %max3A_502 : i32
      %get3A_504 = arith.index_cast %min3A_503 : i32 to index
      %get3A_505 = arith.constant 0 : index
      %get3A_506 = arith.constant 0 : index
      %get3A_507 = vector.load %arg4[%get3A_504, %get3A_505, %get3A_506] : memref<101x128x128xf32, #tpu.memory_space<vmem>>, vector<1x128x128xf32>
      %get3A_508 = vector.shape_cast %get3A_507 : vector<1x128x128xf32> to vector<128x128xf32>
      %swap3A_509 = arith.constant 26 : index
      %swap3A_510 = arith.constant 0 : index
      %swap3A_511 = arith.constant 0 : index
      %swap3A_512 = vector.load %arg3[%swap3A_509, %swap3A_510, %swap3A_511] : memref<32x128x128xf32, #tpu.memory_space<vmem>>, vector<1x128x128xf32>
      %swap3A_513 = vector.shape_cast %swap3A_512 : vector<1x128x128xf32> to vector<128x128xf32>
      %swap3A_514 = vector.shape_cast %get3A_508 : vector<128x128xf32> to vector<1x128x128xf32>
      tpu.vector_store %arg3[%swap3A_509, %swap3A_510, %swap3A_511], %swap3A_514 {strides = array<i32>} : memref<32x128x128xf32, #tpu.memory_space<vmem>>, vector<1x128x128xf32>,
      %add3A_515 = arith.constant 27 : i32
      %add3A_516 = arith.addi %mul3A_7, %add3A_515 : i32
      %get3A_517 = arith.index_cast %add3A_516 : i32 to index
      %get3A_518 = memref.load %arg1[%get3A_517] : memref<1024xi32, #tpu.memory_space<smem>>
      %jit3A_519 = arith.constant 0 : i32
      %jit3A_520 = arith.constant 100 : i32
      %max3A_521 = arith.maxsi %jit3A_519, %get3A_518 : i32
      %min3A_522 = arith.minsi %jit3A_520, %max3A_521 : i32
      %get3A_523 = arith.index_cast %min3A_522 : i32 to index
      %get3A_524 = arith.constant 0 : index
      %get3A_525 = arith.constant 0 : index
      %get3A_526 = vector.load %arg4[%get3A_523, %get3A_524, %get3A_525] : memref<101x128x128xf32, #tpu.memory_space<vmem>>, vector<1x128x128xf32>
      %get3A_527 = vector.shape_cast %get3A_526 : vector<1x128x128xf32> to vector<128x128xf32>
      %swap3A_528 = arith.constant 27 : index
      %swap3A_529 = arith.constant 0 : index
      %swap3A_530 = arith.constant 0 : index
      %swap3A_531 = vector.load %arg3[%swap3A_528, %swap3A_529, %swap3A_530] : memref<32x128x128xf32, #tpu.memory_space<vmem>>, vector<1x128x128xf32>
      %swap3A_532 = vector.shape_cast %swap3A_531 : vector<1x128x128xf32> to vector<128x128xf32>
      %swap3A_533 = vector.shape_cast %get3A_527 : vector<128x128xf32> to vector<1x128x128xf32>
      tpu.vector_store %arg3[%swap3A_528, %swap3A_529, %swap3A_530], %swap3A_533 {strides = array<i32>} : memref<32x128x128xf32, #tpu.memory_space<vmem>>, vector<1x128x128xf32>,
      %add3A_534 = arith.constant 28 : i32
      %add3A_535 = arith.addi %mul3A_7, %add3A_534 : i32
      %get3A_536 = arith.index_cast %add3A_535 : i32 to index
      %get3A_537 = memref.load %arg1[%get3A_536] : memref<1024xi32, #tpu.memory_space<smem>>
      %jit3A_538 = arith.constant 0 : i32
      %jit3A_539 = arith.constant 100 : i32
      %max3A_540 = arith.maxsi %jit3A_538, %get3A_537 : i32
      %min3A_541 = arith.minsi %jit3A_539, %max3A_540 : i32
      %get3A_542 = arith.index_cast %min3A_541 : i32 to index
      %get3A_543 = arith.constant 0 : index
      %get3A_544 = arith.constant 0 : index
      %get3A_545 = vector.load %arg4[%get3A_542, %get3A_543, %get3A_544] : memref<101x128x128xf32, #tpu.memory_space<vmem>>, vector<1x128x128xf32>
      %get3A_546 = vector.shape_cast %get3A_545 : vector<1x128x128xf32> to vector<128x128xf32>
      %swap3A_547 = arith.constant 28 : index
      %swap3A_548 = arith.constant 0 : index
      %swap3A_549 = arith.constant 0 : index
      %swap3A_550 = vector.load %arg3[%swap3A_547, %swap3A_548, %swap3A_549] : memref<32x128x128xf32, #tpu.memory_space<vmem>>, vector<1x128x128xf32>
      %swap3A_551 = vector.shape_cast %swap3A_550 : vector<1x128x128xf32> to vector<128x128xf32>
      %swap3A_552 = vector.shape_cast %get3A_546 : vector<128x128xf32> to vector<1x128x128xf32>
      tpu.vector_store %arg3[%swap3A_547, %swap3A_548, %swap3A_549], %swap3A_552 {strides = array<i32>} : memref<32x128x128xf32, #tpu.memory_space<vmem>>, vector<1x128x128xf32>,
      %add3A_553 = arith.constant 29 : i32
      %add3A_554 = arith.addi %mul3A_7, %add3A_553 : i32
      %get3A_555 = arith.index_cast %add3A_554 : i32 to index
      %get3A_556 = memref.load %arg1[%get3A_555] : memref<1024xi32, #tpu.memory_space<smem>>
      %jit3A_557 = arith.constant 0 : i32
      %jit3A_558 = arith.constant 100 : i32
      %max3A_559 = arith.maxsi %jit3A_557, %get3A_556 : i32
      %min3A_560 = arith.minsi %jit3A_558, %max3A_559 : i32
      %get3A_561 = arith.index_cast %min3A_560 : i32 to index
      %get3A_562 = arith.constant 0 : index
      %get3A_563 = arith.constant 0 : index
      %get3A_564 = vector.load %arg4[%get3A_561, %get3A_562, %get3A_563] : memref<101x128x128xf32, #tpu.memory_space<vmem>>, vector<1x128x128xf32>
      %get3A_565 = vector.shape_cast %get3A_564 : vector<1x128x128xf32> to vector<128x128xf32>
      %swap3A_566 = arith.constant 29 : index
      %swap3A_567 = arith.constant 0 : index
      %swap3A_568 = arith.constant 0 : index
      %swap3A_569 = vector.load %arg3[%swap3A_566, %swap3A_567, %swap3A_568] : memref<32x128x128xf32, #tpu.memory_space<vmem>>, vector<1x128x128xf32>
      %swap3A_570 = vector.shape_cast %swap3A_569 : vector<1x128x128xf32> to vector<128x128xf32>
      %swap3A_571 = vector.shape_cast %get3A_565 : vector<128x128xf32> to vector<1x128x128xf32>
      tpu.vector_store %arg3[%swap3A_566, %swap3A_567, %swap3A_568], %swap3A_571 {strides = array<i32>} : memref<32x128x128xf32, #tpu.memory_space<vmem>>, vector<1x128x128xf32>,
      %add3A_572 = arith.constant 30 : i32
      %add3A_573 = arith.addi %mul3A_7, %add3A_572 : i32
      %get3A_574 = arith.index_cast %add3A_573 : i32 to index
      %get3A_575 = memref.load %arg1[%get3A_574] : memref<1024xi32, #tpu.memory_space<smem>>
      %jit3A_576 = arith.constant 0 : i32
      %jit3A_577 = arith.constant 100 : i32
      %max3A_578 = arith.maxsi %jit3A_576, %get3A_575 : i32
      %min3A_579 = arith.minsi %jit3A_577, %max3A_578 : i32
      %get3A_580 = arith.index_cast %min3A_579 : i32 to index
      %get3A_581 = arith.constant 0 : index
      %get3A_582 = arith.constant 0 : index
      %get3A_583 = vector.load %arg4[%get3A_580, %get3A_581, %get3A_582] : memref<101x128x128xf32, #tpu.memory_space<vmem>>, vector<1x128x128xf32>
      %get3A_584 = vector.shape_cast %get3A_583 : vector<1x128x128xf32> to vector<128x128xf32>
      %swap3A_585 = arith.constant 30 : index
      %swap3A_586 = arith.constant 0 : index
      %swap3A_587 = arith.constant 0 : index
      %swap3A_588 = vector.load %arg3[%swap3A_585, %swap3A_586, %swap3A_587] : memref<32x128x128xf32, #tpu.memory_space<vmem>>, vector<1x128x128xf32>
      %swap3A_589 = vector.shape_cast %swap3A_588 : vector<1x128x128xf32> to vector<128x128xf32>
      %swap3A_590 = vector.shape_cast %get3A_584 : vector<128x128xf32> to vector<1x128x128xf32>
      tpu.vector_store %arg3[%swap3A_585, %swap3A_586, %swap3A_587], %swap3A_590 {strides = array<i32>} : memref<32x128x128xf32, #tpu.memory_space<vmem>>, vector<1x128x128xf32>,
      %add3A_591 = arith.constant 31 : i32
      %add3A_592 = arith.addi %mul3A_7, %add3A_591 : i32
      %get3A_593 = arith.index_cast %add3A_592 : i32 to index
      %get3A_594 = memref.load %arg1[%get3A_593] : memref<1024xi32, #tpu.memory_space<smem>>
      %jit3A_595 = arith.constant 0 : i32
      %jit3A_596 = arith.constant 100 : i32
      %max3A_597 = arith.maxsi %jit3A_595, %get3A_594 : i32
      %min3A_598 = arith.minsi %jit3A_596, %max3A_597 : i32
      %get3A_599 = arith.index_cast %min3A_598 : i32 to index
      %get3A_600 = arith.constant 0 : index
      %get3A_601 = arith.constant 0 : index
      %get3A_602 = vector.load %arg4[%get3A_599, %get3A_600, %get3A_601] : memref<101x128x128xf32, #tpu.memory_space<vmem>>, vector<1x128x128xf32>
      %get3A_603 = vector.shape_cast %get3A_602 : vector<1x128x128xf32> to vector<128x128xf32>
      %swap3A_604 = arith.constant 31 : index
      %swap3A_605 = arith.constant 0 : index
      %swap3A_606 = arith.constant 0 : index
      %swap3A_607 = vector.load %arg3[%swap3A_604, %swap3A_605, %swap3A_606] : memref<32x128x128xf32, #tpu.memory_space<vmem>>, vector<1x128x128xf32>
      %swap3A_608 = vector.shape_cast %swap3A_607 : vector<1x128x128xf32> to vector<128x128xf32>
      %swap3A_609 = vector.shape_cast %get3A_603 : vector<128x128xf32> to vector<1x128x128xf32>
      tpu.vector_store %arg3[%swap3A_604, %swap3A_605, %swap3A_606], %swap3A_609 {strides = array<i32>} : memref<32x128x128xf32, #tpu.memory_space<vmem>>, vector<1x128x128xf32>,
    } else {
    }
    return
  }
  func.func @transform_0(%arg0: i32) -> i32 {
    %c0_i32 = arith.constant 0 : i32
    %c0_i32_0 = arith.constant 0 : i32
    return %c0_i32 : i32
  }
  func.func @transform_1(%arg0: i32) -> (i32, i32, i32) {
    %c0_i32 = arith.constant 0 : i32
    %c0_i32_0 = arith.constant 0 : i32
    %c0_i32_1 = arith.constant 0 : i32
    %c0_i32_2 = arith.constant 0 : i32
    return %c0_i32, %c0_i32_0, %c0_i32_1 : i32, i32, i32
  }
  func.func @transform_2(%arg0: i32) -> (i32, i32, i32) {
    %sub3A = arith.constant 1 : i32
    %sub3A_0 = arith.subi %arg0, %sub3A : i32
    %max3A = arith.constant 0 : i32
    %max3A_1 = arith.maxsi %sub3A_0, %max3A : i32
    %c0_i32 = arith.constant 0 : i32
    %c0_i32_2 = arith.constant 0 : i32
    %c0_i32_3 = arith.constant 0 : i32
    return %max3A_1, %c0_i32, %c0_i32_2 : i32, i32, i32
  }
}

</mosaic_0001>

<sc_bundles>
// kernel: _run.5.cloned.1.call-start
scs
__scs_entry_jumppad:
0x0: {  	(pc) =	sbr.rel $0x88, $3  }
0x1: {  	(tag) =	ssettag $0x0;
	lr =	simm.s32 $0x1  }
0x2: {  	[smem:$0x3F9E] =	sst lr;
	_ =	strace $0xD0000000  }
0x3: {  	_ = 	snop  }
0x4: {  	_ = 	snop  }
0x5: {  	_ = 	snop  }
0x6: {  	_ = 	snop  }
0x7: {  	_ = 	snop  }
__scs_overlays_trampoline_lowered:
0x8: {  	[smem:$0x3FAD] =	sst s0  }
0x9: {  	[smem:$0x3FAE] =	sst s1  }
0xa: {  	[smem:$0x3FAF] =	sst s2  }
0xb: {  	[smem:$0x3FB0] =	sst s3  }
0xc: {  	[smem:$0x3FB1] =	sst s4  }
0xd: {  	[smem:$0x3FB2] =	sst s5  }
0xe: {  	[smem:$0x3FB3] =	sst s6  }
0xf: {  	[smem:$0x3FB4] =	sst s7  }
0x10: {  	[smem:$0x3FB5] =	sst s8  }
0x11: {  	[smem:$0x3FB6] =	sst s9;
	s0 =	simm.s32 @!p0 $0x0  }
0x12: {  	s1 =	sld [smem:$0x3F9C];
	s0 =	simm.s32 @p0 $0x1  }
0x13: {  	[smem:$0x3FB7] =	sst s0;
	s0 =	simm.s32 @!p1 $0x0  }
0x14: {  	s2 =	sld [smem:$0x3F9B];
	s0 =	simm.s32 @p1 $0x1  }
0x15: {  	[smem:$0x3FB8] =	sst s0;
	s0 =	simm.s32 @!p2 $0x0  }
0x16: {  	s3 =	sld [smem:$0x3FDB];
	s0 =	simm.s32 @p2 $0x1  }
0x17: {  	s4 =	simm.s32 $0x1BF5;
	[smem:$0x3FBA] =	sst s0  }
0x18: {  	s0 =	sld [smem:$0x3F9D];
	_ =	swait.ge [sflag:s4], $0x0  }
0x19: {  	s7 =	sld [smem:$0x3F9E]  }
0x1a: {  	s8 =	sadd.s32 $0xFFFFE003, lr  }
0x1b: {  	s9 =	sadd.s32 $0xFFFFFEF7, lr;
	s5 =	simm.s32 $0xFFFFFFFF;
	p2 =	slt.u32 s8, $0xFFFFF086  }
0x1c: {  	p1 =	slt.u32 s9, $0xF7A;
	s5 =	simm.s32 @!p2 $0x0  }
0x1d: {  	s5 =	simm.s32 @p1 $0x1;
	p0 =	seq.s32 s7, s2  }
0x1e: {  	s7 =	smul.u32 @!p0 $0xF7A, s2;
	p2 =	seq.s32 @!p0 s5, $0x0  }
0x1f: {  	s9 =	smul.u32 $0xF7A, s1;
	s8 =	simm.s32 @!p0 $0x1BF5;
	p2 =	por !p2, p0  }
0x20: {  	[sflag:s8] =	ssyncset.s32 @!p0 $0xFFFFF086;
	s6 =	sadd.s32 @!p0 s3, s7;
	s7 =	simm.s32 @!p0 $0x108  }
0x21: {  	s3 =	sadd.s32 s3, s9;
	s6 =	sadd.s32 @!p0 $0x88, s6;
	s7 =	simm.s32 @p2 $0x1082  }
0x22: {  	[simem:s7], [sflag:s8] =	dma.local @!p0 [hbm:s6], $0xF7A  }
0x23: {  	s9 =	sor.u32 $0xD0000000, s2;
	s6 =	simm.s32 $0x108;
	_ =	swait.ge @!p0 [sflag:s8], $0x0  }
0x24: {  	s3 =	sadd.s32 $0x88, s3;
	s6 =	simm.s32 @!p1 $0x1082;
	[sflag:s4] =	ssyncset.s32 $0xFFFFF086  }
0x25: {  	[simem:s6], [sflag:s4] =	dma.local [hbm:s3], $0xF7A  }
0x26: {  	[smem:$0x3F9E] =	sst s1;
	(tag) =	ssettag s2;
	_ =	strace s9  }
0x27: {  	s1 =	sld [smem:$0x3FAE]  }
0x28: {  	s2 =	sld [smem:$0x3FAF]  }
0x29: {  	s4 =	sld [smem:$0x3FB1]  }
0x2a: {  	p0 =	seq.s32 s5, $0x0;
	s5 =	sld [smem:$0x3FB2]  }
0x2b: {  	s6 =	sld [smem:$0x3FB3]  }
0x2c: {  	s7 =	sld [smem:$0x3FB4]  }
0x2d: {  	s3 =	simm.s32 $0x108;
	s8 =	sld [smem:$0x3FB5]  }
0x2e: {  	s3 =	simm.s32 @!p0 $0x1082;
	s9 =	sld [smem:$0x3FB6]  }
0x2f: {  	lr =	sadd.s32 s0, s3;
	s0 =	sld [smem:$0x3FAD]  }
0x30: {  	s3 =	sld [smem:$0x3FB0]  }
0x31: {  	[smem:$0x3FB9] =	sst s10  }
0x32: {  	s10 =	sld [smem:$0x3FB7];
	_ =	sdelay $0x3  }
0x33: {  	p0 =	seq.s32 s10, $0x1;
	s10 =	sld [smem:$0x3FB9];
	_ =	sdelay $0x3  }
0x34: {  	[smem:$0x3FB9] =	sst s10  }
0x35: {  	s10 =	sld [smem:$0x3FB8];
	_ =	sdelay $0x3  }
0x36: {  	p1 =	seq.s32 s10, $0x1;
	s10 =	sld [smem:$0x3FB9];
	_ =	sdelay $0x3  }
0x37: {  	[smem:$0x3FB9] =	sst s10  }
0x38: {  	s10 =	sld [smem:$0x3FBA]  }
0x39: {  	_ = 	snop;
	(pc) =	sbr.ind lr, $3  }
0x3a: {  	_ = 	snop  }
0x3b: {  	_ = 	snop  }
0x3c: {  	p2 =	seq.s32 s10, $0x1;
	s10 =	sld [smem:$0x3FB9]  }
0x3d: {  	_ =	shalt  }
0x3e: {  	_ =	shalt  }
0x3f: {  	_ =	shalt  }
0x40: {  	_ =	shalt  }
0x41: {  	_ =	shalt  }
0x42: {  	_ =	shalt  }
0x43: {  	_ =	shalt  }
0x44: {  	_ =	shalt  }
0x45: {  	_ =	shalt  }
0x46: {  	_ =	shalt  }
0x47: {  	_ =	shalt  }
0x48: {  	_ =	shalt  }
0x49: {  	_ =	shalt  }
0x4a: {  	_ =	shalt  }
0x4b: {  	_ =	shalt  }
0x4c: {  	_ =	shalt  }
0x4d: {  	_ =	shalt  }
0x4e: {  	_ =	shalt  }
0x4f: {  	_ =	shalt  }
0x50: {  	_ =	shalt  }
0x51: {  	_ =	shalt  }
0x52: {  	_ =	shalt  }
0x53: {  	_ =	shalt  }
0x54: {  	_ =	shalt  }
0x55: {  	_ =	shalt  }
0x56: {  	_ =	shalt  }
0x57: {  	_ =	shalt  }
0x58: {  	_ =	shalt  }
0x59: {  	_ =	shalt  }
0x5a: {  	_ =	shalt  }
0x5b: {  	_ =	shalt  }
0x5c: {  	_ =	shalt  }
0x5d: {  	_ =	shalt  }
0x5e: {  	_ =	shalt  }
0x5f: {  	_ =	shalt  }
0x60: {  	_ =	shalt  }
0x61: {  	_ =	shalt  }
0x62: {  	_ =	shalt  }
0x63: {  	_ =	shalt  }
0x64: {  	_ =	shalt  }
0x65: {  	_ =	shalt  }
0x66: {  	_ =	shalt  }
0x67: {  	_ =	shalt  }
0x68: {  	_ =	shalt  }
0x69: {  	_ =	shalt  }
0x6a: {  	_ =	shalt  }
0x6b: {  	_ =	shalt  }
0x6c: {  	_ =	shalt  }
0x6d: {  	_ =	shalt  }
0x6e: {  	_ =	shalt  }
0x6f: {  	_ =	shalt  }
0x70: {  	_ =	shalt  }
0x71: {  	_ =	shalt  }
0x72: {  	_ =	shalt  }
0x73: {  	_ =	shalt  }
0x74: {  	_ =	shalt  }
0x75: {  	_ =	shalt  }
0x76: {  	_ =	shalt  }
0x77: {  	_ =	shalt  }
0x78: {  	_ =	shalt  }
0x79: {  	_ =	shalt  }
0x7a: {  	_ =	shalt  }
0x7b: {  	_ =	shalt  }
0x7c: {  	_ =	shalt  }
0x7d: {  	_ =	shalt  }
0x7e: {  	_ =	shalt  }
0x7f: {  	_ =	shalt  }
0x80: {  	_ =	shalt  }
0x81: {  	_ =	shalt  }
0x82: {  	_ =	shalt  }
0x83: {  	_ =	shalt  }
0x84: {  	_ =	shalt  }
0x85: {  	_ =	shalt  }
0x86: {  	_ =	shalt  }
0x87: {  	_ =	shalt  }
.Lfunc_end0:
.L_simem_size_0:
called_computation_lowered:
.L_overlay_start_0:
0x88: {  	s2 =	sld [smem:$0x3FD9]  }
0x89: {  	s3 =	sld [smem:$0x3FFE];
	_ =	sdelay $0x1  }
0x8a: {  	s1 =	srdreg.scid  }
0x8b: {  	s0 =	sand.u32 $0x1, s1  }
0x8c: {  	s14 =	sshll.u32 s0, $0xA;
	s2 =	sadd.s32 s3, s2  }
0x8d: {  	s2 =	sadd.s32 s2, s14  }
0x8e: {  	[smem:$0x3FC5] =	sst s2  }
0x8f: {  	_ = 	snop  }
0x90: {  	s2 =	sld [smem:$0x3FD0];
	_ =	sdelay $0x2  }
0x91: {  	s15 =	simm.s32 $0xA;
	s4 =	simm.s32 $0x10  }
0x92: {  	[smem:s4], [sflag:s15] =	dma.local [hbm:s2], $0x1  }
0x93: {  	_ =	swait.eq [sflag:s15], $0x1  }
0x94: {  	[sflag:s15] =	ssyncset.done $0x0  }
0x95: {  	[sflag:s15] =	ssyncadd.s32 $0xFFFFFFFF  }
0x96: {  	s16 =	sld [smem:$0x11];
	(tm) =	ssettm $0x1  }
0x97: {  	s17 =	sld [smem:$0x3FFB];
	_ =	sdelay $0x3  }
0x98: {  	_ =	strace s17  }
0x99: {  	s3 =	sld [smem:$0x3FFC];
	_ =	sdelay $0x3  }
0x9a: {  	_ =	strace s3  }
0x9b: {  	s3 =	sld [smem:$0x3FFD];
	_ =	sdelay $0x3  }
0x9c: {  	_ =	strace s3  }
0x9d: {  	_ =	strace $0x8FFFFFFF  }
0x9e: {  	s18 =	sld [smem:$0x3FDB];
	_ =	sdelay $0x1  }
0x9f: {  	s19 =	simm.s32 $_scs_section_size  }
0xa0: {  	s5 =	simm.s32 $_size__tile_overlayer_lowered;
	s6 =	simm.s32 $_tile_overlayer_lowered  }
0xa1: {  	s22 =	simm.s32 $0x1BFF;
	s21 =	sshll.u32 s6, $0x1;
	s3 =	sadd.s32 s19, s18  }
0xa2: {  	s7 =	simm.s32 $0x0;
	s20 =	sshll.u32 s5, $0x1;
	s5 =	sadd.s32 s21, s3  }
0xa3: {  	[timem:s7], [sflag:s22] =	dma.local [hbm:s5], s20  }
0xa4: {  	_ =	swait.ge [sflag:s22], s20  }
0xa5: {  	s4 =	ssub.s32 $0x0, s20;
	[sflag:s22] =	ssyncset.done $0x0  }
0xa6: {  	[sflag:s22] =	ssyncadd.s32 s4;
	_ =	sdelay $0x1  }
0xa7: {  	s23 =	simm.s32 $0x1B8B  }
0xa8: {  	_ =	swait.ge [sflag:s23], $0x1  }
0xa9: {  	[sflag:s23] =	ssyncset.done $0x0  }
0xaa: {  	s25 =	simm.s32 $0x1B8E;
	s24 =	sld [smem:$0x3FFE];
	[sflag:s23] =	ssyncadd.s32 $0xFFFFFFFF  }
0xab: {  	s26 =	simm.s32 $execute0_lowered;
	[smem:$0x3FD2] =	sst s25  }
0xac: {  	s5 =	sshll.u32 s26, $0x1;
	_ =	strace $0x80000046;
	[dreg:$0x1] =	wrdreg $0xFFFFFFFF  }
0xad: {  	s28 =	simm.s32 $_size_execute0_lowered;
	s3 =	sadd.s32 s3, s5;
	[dreg:$0x0] =	wrdreg $0x0  }
0xae: {  	s5 =	sshll.u32 s28, $0x1;
	[dreg:$0x2] =	wrdreg s3  }
0xaf: {  	[dreg:$0x3] =	wrdreg s5  }
0xb0: {  	[dreg:$0x4] =	wrdreg $0xC0  }
0xb1: {  	_ =	task [dreg:s7], $0x5FFFF  }
0xb2: {  	[dreg:$0x1] =	wrdreg $0xFFFFFFFF  }
0xb3: {  	[dreg:$0x0] =	wrdreg $0x60  }
0xb4: {  	[dreg:$0x2] =	wrdreg s24  }
0xb5: {  	[dreg:$0x3] =	wrdreg s16  }
0xb6: {  	[dreg:$0x4] =	wrdreg $0x9  }
0xb7: {  	_ =	task.clear_ibuf [dreg:s7], $0x5FFFF;
	_ =	strace $0x90000046  }
0xb8: {  	s29 =	simm.s32 $0x9;
	_ =	strace $0x80000048  }
0xb9: {  	_ =	swait.ge [sflag:s29], $0x1  }
0xba: {  	[sflag:s29] =	ssyncadd.s32 $0xFFFFFFFF  }
0xbb: {  	_ =	strace $0x90000048  }
0xbc: {  	_ =	sfence  }
0xbd: {  	s30 =	sld [smem:$0x0];
	_ =	sdelay $0x2  }
0xbe: {  	s31 =	sshll.u32 s1, $0xD;
	s1 =	sshrl.u32 s1, $0x2  }
0xbf: {  	s3 =	sand.u32 $0x4000, s31;
	s1 =	sadd.s32 s1, s30  }
0xc0: {  	s0 =	sor.u32 s3, s0;
	s1 =	sshll.u32 s1, $0x11  }
0xc1: {  	s0 =	sor.u32 s1, s0  }
0xc2: {  	s0 =	sadd.s32 $0x8F2B, s0  }
0xc3: {  	[sflag:s0] =	ssyncadd.remote.s32 $0x1  }
0xc4: {  	_ =	sfence.sel $0xFFFF  }
0xc5: {  	[dreg:$0x0] =	wrdreg $0xFFFFFFFF;
	(pc) =	sbr.abs _section_cstart, $3  }
0xc6: {  	[dreg:$0x1] =	wrdreg $0xFFFFFFFF  }
0xc7: {  	_ =	task.clear_ibuf [dreg:s7], $0x2FFFF;
	_ =	strace $0x9FFFFFFF  }
0xc8: {  	(tm) =	ssettm $0x7FFFFFFF  }
0xc9: {  	_ =	shalt  }
tec
execute0_lowered:
.L_overlay_start_1:
0x0: {  	(tag) =	ssettag $0x1  }
0x1: {  	s1 =	srdreg.scid;
	s0 =	stileid.u32  }
0x2: {  	s5 =	rddreg [dreg:$0x0];
	s22 =	sand.u32 $0x1, s1;
	s31 =	sshll.u32 s0, $0x1  }
0x3: {  	s9 =	rddreg [dreg:$0x1];
	s10 =	sor.u32 s22, s31  }
0x4: {  	s2 =	simm.s32 $0x0;
	s1 =	rddreg [dreg:$0x2];
	s3 =	sshll.u32 s10, $0x7  }
0x5: {  	[smem:$0x7FF] =	sst s2;
	s3 =	sadd.s32 s3, s5  }
0x6: {  	_ =	strace $0x80000047;
	s4 =	sadd.s32 $0xC00, s3;
	s3 =	simm.s32 $0x2  }
0x7: {  	[tilespmem:s2], [sflag:$0x2] =	stream.linear.gather [hbm4b:s4+s2], $0x400, $0x38;
	[tilespmem:$0x10400] =	vst v63  }
0x8: {  	_ =	swait.ge [sflag:s3], $0x400  }
0x9: {  	s6 =	simm.s32 $0x4;
	s7 =	simm.s32 $0x400;
	[sflag:s3] =	ssyncset.done $0x0  }
0xa: {  	s8 =	simm.s32 $0x1;
	s5 =	sadd.s32 $0x1C00, s5;
	[sflag:s3] =	ssyncadd.s32 $0xFFFFFC00  }
0xb: {  	[tilespmem:s7], [sflag:$0x1] =	stream.indirect.gather [hbm4b:s5+s6], $0x4000, s2, s6, $0xb8;
	[tilespmem:$0x10400] =	vst v63  }
0xc: {  	_ =	swait.ge [sflag:s8], $0x10000  }
0xd: {  	s10 =	sshll.u32 s10, $0x10;
	[sflag:s8] =	ssyncset.done $0x0  }
0xe: {  	s9 =	sadd.s32 s9, s10;
	[sflag:s8] =	ssyncadd.s32 $0xFFFF0000  }
0xf: {  	[hbm4b:s9+s2] =	stream.linear.scatter [tilespmem:s7], [sflag:$0x2], $0x10000, $0x38;
	[tilespmem:$0x10400] =	vst v63  }
0x10: {  	_ =	swait.ge [sflag:s3], $0x10000  }
0x11: {  	[sflag:s3] =	ssyncset.done $0x0  }
0x12: {  	s10 =	simm.s32 $0x80;
	[sflag:s3] =	ssyncadd.s32 $0xFFFF0000  }
0x13: {  	[tilespmem:s7], [sflag:$0x1] =	stream.indirect.gather [hbm4b:s5+s6], $0x4000, s10, s6, $0xb8;
	[tilespmem:$0x10400] =	vst v63  }
0x14: {  	_ =	swait.ge [sflag:s8], $0x10000  }
0x15: {  	[sflag:s8] =	ssyncset.done $0x0  }
0x16: {  	s11 =	sadd.s32 $0x2000, s9;
	[sflag:s8] =	ssyncadd.s32 $0xFFFF0000  }
0x17: {  	[hbm4b:s11+s2] =	stream.linear.scatter [tilespmem:s7], [sflag:$0x2], $0x10000, $0x38;
	[tilespmem:$0x10400] =	vst v63  }
0x18: {  	_ =	swait.ge [sflag:s3], $0x10000  }
0x19: {  	[sflag:s3] =	ssyncset.done $0x0  }
0x1a: {  	s12 =	simm.s32 $0x100;
	[sflag:s3] =	ssyncadd.s32 $0xFFFF0000  }
0x1b: {  	[tilespmem:s7], [sflag:$0x1] =	stream.indirect.gather [hbm4b:s5+s6], $0x4000, s12, s6, $0xb8;
	[tilespmem:$0x10400] =	vst v63  }
0x1c: {  	_ =	swait.ge [sflag:s8], $0x10000  }
0x1d: {  	[sflag:s8] =	ssyncset.done $0x0  }
0x1e: {  	s13 =	sadd.s32 $0x4000, s9;
	[sflag:s8] =	ssyncadd.s32 $0xFFFF0000  }
0x1f: {  	[hbm4b:s13+s2] =	stream.linear.scatter [tilespmem:s7], [sflag:$0x2], $0x10000, $0x38;
	[tilespmem:$0x10400] =	vst v63  }
0x20: {  	_ =	swait.ge [sflag:s3], $0x10000  }
0x21: {  	[sflag:s3] =	ssyncset.done $0x0  }
0x22: {  	s14 =	simm.s32 $0x180;
	[sflag:s3] =	ssyncadd.s32 $0xFFFF0000  }
0x23: {  	[tilespmem:s7], [sflag:$0x1] =	stream.indirect.gather [hbm4b:s5+s6], $0x4000, s14, s6, $0xb8;
	[tilespmem:$0x10400] =	vst v63  }
0x24: {  	_ =	swait.ge [sflag:s8], $0x10000  }
0x25: {  	[sflag:s8] =	ssyncset.done $0x0  }
0x26: {  	s15 =	sadd.s32 $0x6000, s9;
	[sflag:s8] =	ssyncadd.s32 $0xFFFF0000  }
0x27: {  	[hbm4b:s15+s2] =	stream.linear.scatter [tilespmem:s7], [sflag:$0x2], $0x10000, $0x38;
	[tilespmem:$0x10400] =	vst v63  }
0x28: {  	_ =	swait.ge [sflag:s3], $0x10000  }
0x29: {  	[sflag:s3] =	ssyncset.done $0x0  }
0x2a: {  	s16 =	simm.s32 $0x200;
	[sflag:s3] =	ssyncadd.s32 $0xFFFF0000  }
0x2b: {  	[tilespmem:s7], [sflag:$0x1] =	stream.indirect.gather [hbm4b:s5+s6], $0x4000, s16, s6, $0xb8;
	[tilespmem:$0x10400] =	vst v63  }
0x2c: {  	_ =	swait.ge [sflag:s8], $0x10000  }
0x2d: {  	[sflag:s8] =	ssyncset.done $0x0  }
0x2e: {  	s17 =	sadd.s32 $0x8000, s9;
	[sflag:s8] =	ssyncadd.s32 $0xFFFF0000  }
0x2f: {  	[hbm4b:s17+s2] =	stream.linear.scatter [tilespmem:s7], [sflag:$0x2], $0x10000, $0x38;
	[tilespmem:$0x10400] =	vst v63  }
0x30: {  	_ =	swait.ge [sflag:s3], $0x10000  }
0x31: {  	[sflag:s3] =	ssyncset.done $0x0  }
0x32: {  	s18 =	simm.s32 $0x280;
	[sflag:s3] =	ssyncadd.s32 $0xFFFF0000  }
0x33: {  	[tilespmem:s7], [sflag:$0x1] =	stream.indirect.gather [hbm4b:s5+s6], $0x4000, s18, s6, $0xb8;
	[tilespmem:$0x10400] =	vst v63  }
0x34: {  	_ =	swait.ge [sflag:s8], $0x10000  }
0x35: {  	[sflag:s8] =	ssyncset.done $0x0  }
0x36: {  	s19 =	sadd.s32 $0xA000, s9;
	[sflag:s8] =	ssyncadd.s32 $0xFFFF0000  }
0x37: {  	[hbm4b:s19+s2] =	stream.linear.scatter [tilespmem:s7], [sflag:$0x2], $0x10000, $0x38;
	[tilespmem:$0x10400] =	vst v63  }
0x38: {  	_ =	swait.ge [sflag:s3], $0x10000  }
0x39: {  	[sflag:s3] =	ssyncset.done $0x0  }
0x3a: {  	s20 =	simm.s32 $0x300;
	[sflag:s3] =	ssyncadd.s32 $0xFFFF0000  }
0x3b: {  	[tilespmem:s7], [sflag:$0x1] =	stream.indirect.gather [hbm4b:s5+s6], $0x4000, s20, s6, $0xb8;
	[tilespmem:$0x10400] =	vst v63  }
0x3c: {  	_ =	swait.ge [sflag:s8], $0x10000  }
0x3d: {  	[sflag:s8] =	ssyncset.done $0x0  }
0x3e: {  	s23 =	ssub.s32 $0x2, s22;
	s21 =	sadd.s32 $0xC000, s9;
	[sflag:s8] =	ssyncadd.s32 $0xFFFF0000  }
0x3f: {  	[hbm4b:s21+s2] =	stream.linear.scatter [tilespmem:s7], [sflag:$0x2], $0x10000, $0x38;
	[tilespmem:$0x10400] =	vst v63  }
0x40: {  	s24 =	sshrl.u32 s23, $0x1;
	_ =	swait.ge [sflag:s3], $0x10000  }
0x41: {  	s24 =	ssub.s32 s23, s24;
	[sflag:s3] =	ssyncset.done $0x0  }
0x42: {  	s22 =	simm.s32 $0x380;
	s24 =	smax.u32 s24, $0x1;
	[sflag:s3] =	ssyncadd.s32 $0xFFFF0000  }
0x43: {  	[tilespmem:s7], [sflag:$0x1] =	stream.indirect.gather [hbm4b:s5+s6], $0x4000, s22, s6, $0xb8;
	[tilespmem:$0x10400] =	vst v63  }
0x44: {  	p0 =	sne.s32 s24, $0x1;
	_ =	swait.ge [sflag:s8], $0x10000  }
.Ltmp0:
0x45: {  	[sflag:s8] =	ssyncset.done $0x0;
	(pc) =	sbr.rel @!p0 .LBB2_2-.Ltmp0, $4  }
0x46: {  	s23 =	sadd.s32 $0xE000, s9;
	[sflag:s8] =	ssyncadd.s32 $0xFFFF0000  }
0x47: {  	[hbm4b:s23+s2] =	stream.linear.scatter [tilespmem:s7], [sflag:$0x2], $0x10000, $0x38;
	[tilespmem:$0x10400] =	vst v63  }
0x48: {  	_ =	swait.ge [sflag:s3], $0x10000  }
0x49: {  	s24 =	sadd.s32 $0xFFFFFFFF, s24;
	[sflag:s3] =	ssyncset.done $0x0  }
.LBB2_1:
0x4a: {  	p0 =	sne.s32 s24, $0x1;
	s24 =	sadd.s32 $0xFFFFFFFF, s24;
	[sflag:s3] =	ssyncadd.s32 $0xFFFF0000  }
0x4b: {  	[tilespmem:s2], [sflag:$0x2] =	stream.linear.gather [hbm4b:s4+s2], $0x400, $0x38;
	[tilespmem:$0x10400] =	vst v63  }
0x4c: {  	_ =	swait.ge [sflag:s3], $0x400  }
0x4d: {  	[sflag:s3] =	ssyncset.done $0x0  }
0x4e: {  	[sflag:s3] =	ssyncadd.s32 $0xFFFFFC00  }
0x4f: {  	[tilespmem:s7], [sflag:$0x1] =	stream.indirect.gather [hbm4b:s5+s6], $0x4000, s2, s6, $0xb8;
	[tilespmem:$0x10400] =	vst v63  }
0x50: {  	_ =	swait.ge [sflag:s8], $0x10000  }
0x51: {  	[sflag:s8] =	ssyncset.done $0x0  }
0x52: {  	[sflag:s8] =	ssyncadd.s32 $0xFFFF0000  }
0x53: {  	[hbm4b:s9+s2] =	stream.linear.scatter [tilespmem:s7], [sflag:$0x2], $0x10000, $0x38;
	[tilespmem:$0x10400] =	vst v63  }
0x54: {  	_ =	swait.ge [sflag:s3], $0x10000  }
0x55: {  	[sflag:s3] =	ssyncset.done $0x0  }
0x56: {  	[sflag:s3] =	ssyncadd.s32 $0xFFFF0000  }
0x57: {  	[tilespmem:s7], [sflag:$0x1] =	stream.indirect.gather [hbm4b:s5+s6], $0x4000, s10, s6, $0xb8;
	[tilespmem:$0x10400] =	vst v63  }
0x58: {  	_ =	swait.ge [sflag:s8], $0x10000  }
0x59: {  	[sflag:s8] =	ssyncset.done $0x0  }
0x5a: {  	[sflag:s8] =	ssyncadd.s32 $0xFFFF0000  }
0x5b: {  	[hbm4b:s11+s2] =	stream.linear.scatter [tilespmem:s7], [sflag:$0x2], $0x10000, $0x38;
	[tilespmem:$0x10400] =	vst v63  }
0x5c: {  	_ =	swait.ge [sflag:s3], $0x10000  }
0x5d: {  	[sflag:s3] =	ssyncset.done $0x0  }
0x5e: {  	[sflag:s3] =	ssyncadd.s32 $0xFFFF0000  }
0x5f: {  	[tilespmem:s7], [sflag:$0x1] =	stream.indirect.gather [hbm4b:s5+s6], $0x4000, s12, s6, $0xb8;
	[tilespmem:$0x10400] =	vst v63  }
0x60: {  	_ =	swait.ge [sflag:s8], $0x10000  }
0x61: {  	[sflag:s8] =	ssyncset.done $0x0  }
0x62: {  	[sflag:s8] =	ssyncadd.s32 $0xFFFF0000  }
0x63: {  	[hbm4b:s13+s2] =	stream.linear.scatter [tilespmem:s7], [sflag:$0x2], $0x10000, $0x38;
	[tilespmem:$0x10400] =	vst v63  }
0x64: {  	_ =	swait.ge [sflag:s3], $0x10000  }
0x65: {  	[sflag:s3] =	ssyncset.done $0x0  }
0x66: {  	[sflag:s3] =	ssyncadd.s32 $0xFFFF0000  }
0x67: {  	[tilespmem:s7], [sflag:$0x1] =	stream.indirect.gather [hbm4b:s5+s6], $0x4000, s14, s6, $0xb8;
	[tilespmem:$0x10400] =	vst v63  }
0x68: {  	_ =	swait.ge [sflag:s8], $0x10000  }
0x69: {  	[sflag:s8] =	ssyncset.done $0x0  }
0x6a: {  	[sflag:s8] =	ssyncadd.s32 $0xFFFF0000  }
0x6b: {  	[hbm4b:s15+s2] =	stream.linear.scatter [tilespmem:s7], [sflag:$0x2], $0x10000, $0x38;
	[tilespmem:$0x10400] =	vst v63  }
0x6c: {  	_ =	swait.ge [sflag:s3], $0x10000  }
0x6d: {  	[sflag:s3] =	ssyncset.done $0x0  }
0x6e: {  	[sflag:s3] =	ssyncadd.s32 $0xFFFF0000  }
0x6f: {  	[tilespmem:s7], [sflag:$0x1] =	stream.indirect.gather [hbm4b:s5+s6], $0x4000, s16, s6, $0xb8;
	[tilespmem:$0x10400] =	vst v63  }
0x70: {  	_ =	swait.ge [sflag:s8], $0x10000  }
0x71: {  	[sflag:s8] =	ssyncset.done $0x0  }
0x72: {  	[sflag:s8] =	ssyncadd.s32 $0xFFFF0000  }
0x73: {  	[hbm4b:s17+s2] =	stream.linear.scatter [tilespmem:s7], [sflag:$0x2], $0x10000, $0x38;
	[tilespmem:$0x10400] =	vst v63  }
0x74: {  	_ =	swait.ge [sflag:s3], $0x10000  }
0x75: {  	[sflag:s3] =	ssyncset.done $0x0  }
0x76: {  	[sflag:s3] =	ssyncadd.s32 $0xFFFF0000  }
0x77: {  	[tilespmem:s7], [sflag:$0x1] =	stream.indirect.gather [hbm4b:s5+s6], $0x4000, s18, s6, $0xb8;
	[tilespmem:$0x10400] =	vst v63  }
0x78: {  	_ =	swait.ge [sflag:s8], $0x10000  }
0x79: {  	[sflag:s8] =	ssyncset.done $0x0  }
0x7a: {  	[sflag:s8] =	ssyncadd.s32 $0xFFFF0000  }
0x7b: {  	[hbm4b:s19+s2] =	stream.linear.scatter [tilespmem:s7], [sflag:$0x2], $0x10000, $0x38;
	[tilespmem:$0x10400] =	vst v63  }
0x7c: {  	_ =	swait.ge [sflag:s3], $0x10000  }
0x7d: {  	[sflag:s3] =	ssyncset.done $0x0  }
0x7e: {  	[sflag:s3] =	ssyncadd.s32 $0xFFFF0000  }
0x7f: {  	[tilespmem:s7], [sflag:$0x1] =	stream.indirect.gather [hbm4b:s5+s6], $0x4000, s20, s6, $0xb8;
	[tilespmem:$0x10400] =	vst v63  }
0x80: {  	_ =	swait.ge [sflag:s8], $0x10000  }
0x81: {  	[sflag:s8] =	ssyncset.done $0x0  }
0x82: {  	[sflag:s8] =	ssyncadd.s32 $0xFFFF0000  }
0x83: {  	[hbm4b:s21+s2] =	stream.linear.scatter [tilespmem:s7], [sflag:$0x2], $0x10000, $0x38;
	[tilespmem:$0x10400] =	vst v63  }
0x84: {  	_ =	swait.ge [sflag:s3], $0x10000  }
0x85: {  	[sflag:s3] =	ssyncset.done $0x0  }
0x86: {  	[sflag:s3] =	ssyncadd.s32 $0xFFFF0000  }
0x87: {  	[tilespmem:s7], [sflag:$0x1] =	stream.indirect.gather [hbm4b:s5+s6], $0x4000, s22, s6, $0xb8;
	[tilespmem:$0x10400] =	vst v63  }
0x88: {  	_ =	swait.ge [sflag:s8], $0x10000  }
.Ltmp1:
0x89: {  	[sflag:s8] =	ssyncset.done $0x0;
	(pc) =	sbr.rel @p0 .LBB2_1-.Ltmp1, $4  }
0x8a: {  	[sflag:s8] =	ssyncadd.s32 $0xFFFF0000  }
0x8b: {  	[hbm4b:s23+s2] =	stream.linear.scatter [tilespmem:s7], [sflag:$0x2], $0x10000, $0x38;
	[tilespmem:$0x10400] =	vst v63  }
0x8c: {  	_ =	swait.ge [sflag:s3], $0x10000  }
0x8d: {  	[sflag:s3] =	ssyncset.done $0x0  }
.LBB2_2:
0x8e: {  	[sflag:s3] =	ssyncadd.s32 $0xFFFF0000  }
0x8f: {  	_ =	sfence.sel $0x180000  }
0x90: {  	[bflag:$0x0] =	sbarrier.arrive $0xFFFF  }
0x91: {  	p0 =	sne.s32 s0, $0x0;
	_ =	strace $0x90000047  }
0x92: {  	s0 =	sadd.s32 @!p0 $0x100000, s1;
	[bflag:$0x2] =	sbarrier.arrive $0xFFFF  }
0x93: {  	[sflag:s0] =	ssyncadd.tile.s32 @!p0 $0x1;
	_ =	shalt  }
.Lfunc_end2:
_tile_overlayer_lowered:
.L_overlay_start_2:
0x94: {  	(tag) =	ssettag $0x2  }
0x95: {  	s0 =	rddreg [dreg:$0x0];
	s2 =	stileid.u32  }
0x96: {  	s1 =	rddreg [dreg:$0x1];
	p0 =	sne.s32 s2, $0x0  }
0x97: {  	s3 =	rddreg [dreg:$0x2];
	[bflag:$0x3] =	sbarrier.arrive $0xFFFF;
	s2 =	simm.s32 @!p0 $0x1C02  }
0x98: {  	[timem:s3], [sflag:s2] =	dma.local @!p0 [hbm:s0], s1  }
0x99: {  	s0 =	simm.s32 @!p0 $0x2  }
0x9a: {  	_ =	swait.ge @!p0 [sflag:s0], s1  }
0x9b: {  	s1 =	ssub.s32 @!p0 $0x0, s1;
	[sflag:s0] =	ssyncset.done @!p0 $0x0  }
0x9c: {  	[sflag:s0] =	ssyncadd.s32 @!p0 s1  }
0x9d: {  	[bflag:$0x3] =	sbarrier.arrive $0xFFFF  }
0x9e: {  	_ =	shalt  }

</sc_bundles>
